<compile_context>
chip_gen: v7x
topology: tpu7x:2x2x1
jax: 0.10.2.dev20260603
libtpu: 0.0.44.dev20260713+nightly
codegen_flags: <defaults>
</compile_context>

<pallas_src>
import functools

import jax
import jax.numpy as jnp
from jax import lax
from jax.experimental import pallas as pl
from jax.experimental.pallas import tpu as pltpu
from jax.experimental.pallas import tpu_sc as plsc

_N = 50000
_E = 800000
_B = 64
_H = 32

_NW = 32
_CHUNK = 128
_K = 4
_CPW = 196
_E_PAD = _NW * _CPW * _CHUNK
_N_PAD = 50048
_EBLK = 1000
_NBLK = 1000

_f32 = jnp.float32


def _gelu(v):
    return 0.5 * v * (1.0 + lax.erf(v / jnp.sqrt(2.0).astype(_f32)))


def _mlp_ln(h, W2, b2, gm, bt):
    h = _gelu(jnp.dot(h, W2, preferred_element_type=_f32) + b2)
    mu = jnp.mean(h, axis=-1, keepdims=True)
    var = jnp.mean((h - mu) ** 2, axis=-1, keepdims=True)
    return (h - mu) / jnp.sqrt(var + 1e-5) * gm + bt


def _prep_body(xb, bb, ub, W1x, W1u, ao, uo):
    oh = (bb[...] == lax.broadcasted_iota(jnp.int32, (_NBLK, _B), 1)).astype(_f32)
    uu = jnp.dot(oh, ub[...], preferred_element_type=_f32)
    uo[...] = uu
    ao[...] = (jnp.dot(xb[...], W1x[...], preferred_element_type=_f32)
               + jnp.dot(uu, W1u[...], preferred_element_type=_f32))


def _make_prep(x, batch2d, u, W1x, W1u):
    wspec = lambda shp: pl.BlockSpec(shp, lambda i: (0, 0))
    return pl.pallas_call(
        _prep_body,
        grid=(_N // _NBLK,),
        in_specs=[
            pl.BlockSpec((_NBLK, _H), lambda i: (i, 0)),
            pl.BlockSpec((_NBLK, 1), lambda i: (i, 0)),
            wspec((_B, _H)), wspec((_H, _H)), wspec((_H, _H)),
        ],
        out_specs=[
            pl.BlockSpec((_NBLK, _H), lambda i: (i, 0)),
            pl.BlockSpec((_NBLK, _H), lambda i: (i, 0)),
        ],
        out_shape=[
            jax.ShapeDtypeStruct((_N_PAD, _H), _f32),
            jax.ShapeDtypeStruct((_N_PAD, _H), _f32),
        ],
    )(x, batch2d, u, W1x, W1u)


def _sc_gather(a_tab, x, rowsc, colg, zcnt, onesb):
    mesh = plsc.VectorSubcoreMesh(core_axis_name="c", subcore_axis_name="s")
    rpt = _N_PAD // 16

    @functools.partial(
        pl.kernel,
        out_type=[
            jax.ShapeDtypeStruct((_E_PAD, _H), _f32),
            jax.ShapeDtypeStruct((_E_PAD, _H), _f32),
            jax.ShapeDtypeStruct((_N_PAD, 8), _f32),
            jax.ShapeDtypeStruct((_N_PAD, 8), _f32),
        ],
        mesh=mesh,
        scratch_types=[
            pltpu.VMEM_SHARED((_N_PAD, 8), _f32),
            pltpu.VMEM((_K, _CHUNK), jnp.int32),
            pltpu.VMEM((_K, _CHUNK), jnp.int32),
            pltpu.VMEM((_K * _CHUNK, _H), _f32),
            pltpu.VMEM((_K * _CHUNK, _H), _f32),
            pltpu.VMEM((_CHUNK, 8), _f32),
            pltpu.SemaphoreType.DMA,
        ],
        compiler_params=pltpu.CompilerParams(use_tc_tiling_on_sc=False),
    )
    def k(xub_h, x_h, rowsc_h, colg_h, zcnt_h, ones_h,
          srcue_o, dst_o, c0_o, c1_o,
          sh_cnt, idx_r, idx_c, buf_su, buf_d, ones_v, sem):
        cid = lax.axis_index("c")
        sid = lax.axis_index("s")
        wid = sid * 2 + cid
        t0 = sid * rpt
        pltpu.sync_copy(zcnt_h.at[pl.ds(t0, rpt)], sh_cnt.at[pl.ds(t0, rpt)])
        pltpu.sync_copy(ones_h, ones_v)
        plsc.subcore_barrier()

        def step(g, _):
            cbase = wid * _CPW + g * _K
            pltpu.sync_copy(rowsc_h.at[pl.ds(cbase, _K)], idx_r)
            pltpu.sync_copy(colg_h.at[pl.ds(cbase, _K)], idx_c)
            cps = []
            for j in range(_K):
                cps.append(pltpu.async_copy(
                    xub_h.at[idx_r.at[j]],
                    buf_su.at[pl.ds(j * _CHUNK, _CHUNK)], sem))
                cps.append(pltpu.async_copy(
                    x_h.at[idx_c.at[j]],
                    buf_d.at[pl.ds(j * _CHUNK, _CHUNK)], sem))
            for j in range(_K):
                pltpu.sync_copy(ones_v, sh_cnt.at[idx_r.at[j]], add=True)
            for c in cps:
                c.wait()
            ebase = cbase * _CHUNK
            pltpu.sync_copy(buf_su, srcue_o.at[pl.ds(ebase, _K * _CHUNK)])
            pltpu.sync_copy(buf_d, dst_o.at[pl.ds(ebase, _K * _CHUNK)])
            return ()

        lax.fori_loop(0, _CPW // _K, step, ())
        plsc.subcore_barrier()

        @pl.when(cid == 0)
        def _():
            pltpu.sync_copy(sh_cnt.at[pl.ds(t0, rpt)], c0_o.at[pl.ds(t0, rpt)])

        @pl.when(cid == 1)
        def _():
            pltpu.sync_copy(sh_cnt.at[pl.ds(t0, rpt)], c1_o.at[pl.ds(t0, rpt)])

    return k(a_tab, x, rowsc, colg, zcnt, onesb)


_SBLK = 4000


def _ln_s(h, Mavg, gm, bt):
    mu = jnp.dot(h, Mavg, preferred_element_type=_f32)
    dev = h - mu
    var = jnp.dot(dev * dev, Mavg, preferred_element_type=_f32)
    return dev / jnp.sqrt(var + 1e-5) * gm + bt


def _edge_body(asb, db, eab,
               eW1d, eW1e, eb1, eW2, eb2, egm, ebt,
               nW1d, nW1o, nb1, nW2, nb2, ngm, nbt, Mavg,
               eo, mo):
    d = db[...]
    M = Mavg[...]
    h1 = (asb[...]
          + jnp.dot(d, eW1d[...], preferred_element_type=_f32)
          + jnp.dot(eab[...], eW1e[...], preferred_element_type=_f32)
          + eb1[...])
    h2 = _gelu(jnp.dot(_gelu(h1), eW2[...], preferred_element_type=_f32)
               + eb2[...])
    edge_out = _ln_s(h2, M, egm[...], ebt[...])
    eo[...] = edge_out
    m1 = _gelu(jnp.dot(d, nW1d[...], preferred_element_type=_f32)
               + jnp.dot(edge_out, nW1o[...], preferred_element_type=_f32)
               + nb1[...])
    h3 = _gelu(jnp.dot(m1, nW2[...], preferred_element_type=_f32)
               + nb2[...])
    mo[...] = _ln_s(h3, M, ngm[...], nbt[...])


def _make_edge(asrc4, dstg4, edge_attr4, ew, nw, Mavg):
    wspec = lambda shp: pl.BlockSpec(shp, lambda i: (0, 0))
    dspec = pl.BlockSpec((_SBLK, 4 * _H), lambda i: (i, 0))
    return pl.pallas_call(
        _edge_body,
        grid=(_E // (4 * _SBLK),),
        in_specs=[
            dspec, dspec, dspec,
            wspec((4 * _H, 4 * _H)), wspec((4 * _H, 4 * _H)),
            wspec((1, 4 * _H)),
            wspec((4 * _H, 4 * _H)), wspec((1, 4 * _H)),
            wspec((1, 4 * _H)), wspec((1, 4 * _H)),
            wspec((4 * _H, 4 * _H)), wspec((4 * _H, 4 * _H)),
            wspec((1, 4 * _H)),
            wspec((4 * _H, 4 * _H)), wspec((1, 4 * _H)),
            wspec((1, 4 * _H)), wspec((1, 4 * _H)),
            wspec((4 * _H, 4 * _H)),
        ],
        out_specs=[
            pl.BlockSpec((_SBLK, 4 * _H), lambda i: (i, 0)),
            pl.BlockSpec((_SBLK, 4 * _H), lambda i: (i, 0)),
        ],
        out_shape=[
            jax.ShapeDtypeStruct((_E // 4, 4 * _H), _f32),
            jax.ShapeDtypeStruct((_E_PAD // 4, 4 * _H), _f32),
        ],
    )(asrc4, dstg4, edge_attr4, *ew, *nw, Mavg)


def _sc_scatter(m, rows_sc, zsum):
    mesh = plsc.VectorSubcoreMesh(core_axis_name="c", subcore_axis_name="s")
    rpt = _N_PAD // 16

    @functools.partial(
        pl.kernel,
        out_type=[
            jax.ShapeDtypeStruct((_N_PAD, _H), _f32),
            jax.ShapeDtypeStruct((_N_PAD, _H), _f32),
        ],
        mesh=mesh,
        scratch_types=[
            pltpu.VMEM_SHARED((_N_PAD, _H), _f32),
            pltpu.VMEM((_K, _CHUNK), jnp.int32),
            pltpu.VMEM((_K * _CHUNK, _H), _f32),
        ],
        compiler_params=pltpu.CompilerParams(use_tc_tiling_on_sc=False),
    )
    def k(m_h, rows_h, zsum_h,
          s0_o, s1_o,
          sh_sum, idx_v, mval):
        cid = lax.axis_index("c")
        sid = lax.axis_index("s")
        wid = sid * 2 + cid
        t0 = sid * rpt
        pltpu.sync_copy(zsum_h.at[pl.ds(t0, rpt)], sh_sum.at[pl.ds(t0, rpt)])
        plsc.subcore_barrier()

        def step(g, _):
            cbase = wid * _CPW + g * _K
            pltpu.sync_copy(rows_h.at[pl.ds(cbase, _K)], idx_v)
            pltpu.sync_copy(m_h.at[pl.ds(cbase * _CHUNK, _K * _CHUNK)], mval)
            for j in range(_K):
                pltpu.sync_copy(mval.at[pl.ds(j * _CHUNK, _CHUNK)],
                                sh_sum.at[idx_v.at[j]], add=True)
            return ()

        lax.fori_loop(0, _CPW // _K, step, ())
        plsc.subcore_barrier()

        @pl.when(cid == 0)
        def _():
            pltpu.sync_copy(sh_sum.at[pl.ds(t0, rpt)], s0_o.at[pl.ds(t0, rpt)])

        @pl.when(cid == 1)
        def _():
            pltpu.sync_copy(sh_sum.at[pl.ds(t0, rpt)], s1_o.at[pl.ds(t0, rpt)])

    return k(m, rows_sc, zsum)


def _node_body(p0, p1, c0, c1, uub, bt_, ub,
               W1a, W1b, b1, W2, b2, gm, bt,
               xo, gso, gco):
    i = pl.program_id(0)
    cnt = jnp.maximum(c0[:, 0:1] + c1[:, 0:1], 1.0)
    agg = (p0[...] + p1[...]) / cnt
    uu = uub[...]
    h1 = _gelu(jnp.dot(agg, W1a[...], preferred_element_type=_f32)
               + jnp.dot(uu, W1b[...], preferred_element_type=_f32)
               + b1[...])
    xn = _mlp_ln(h1, W2[...], b2[...], gm[...], bt[...])
    xo[...] = xn
    bt_row = bt_[...].reshape(1, _NBLK)
    ohT = (lax.broadcasted_iota(jnp.int32, (_B, _NBLK), 0) == bt_row).astype(_f32)
    gp = jnp.dot(ohT, xn, preferred_element_type=_f32)
    gc = jnp.sum(ohT, axis=1, keepdims=True)

    @pl.when(i == 0)
    def _():
        gso[...] = gp
        gco[...] = gc

    @pl.when(i > 0)
    def _():
        gso[...] += gp
        gco[...] += gc


def _make_node(p0, p1, c0, c1, uu, batchT, u, nw):
    wspec = lambda shp: pl.BlockSpec(shp, lambda i: (0, 0))
    return pl.pallas_call(
        _node_body,
        grid=(_N // _NBLK,),
        in_specs=[
            pl.BlockSpec((_NBLK, _H), lambda i: (i, 0)),
            pl.BlockSpec((_NBLK, _H), lambda i: (i, 0)),
            pl.BlockSpec((_NBLK, 8), lambda i: (i, 0)),
            pl.BlockSpec((_NBLK, 8), lambda i: (i, 0)),
            pl.BlockSpec((_NBLK, _H), lambda i: (i, 0)),
            pl.BlockSpec((1, 1, _NBLK), lambda i: (i, 0, 0)),
            wspec((_B, _H)),
            wspec((_H, _H)), wspec((_H, _H)), wspec((1, _H)),
            wspec((_H, _H)), wspec((1, _H)), wspec((1, _H)), wspec((1, _H)),
        ],
        out_specs=[
            pl.BlockSpec((_NBLK, _H), lambda i: (i, 0)),
            pl.BlockSpec((_B, _H), lambda i: (0, 0)),
            pl.BlockSpec((_B, 1), lambda i: (0, 0)),
        ],
        out_shape=[
            jax.ShapeDtypeStruct((_N, _H), _f32),
            jax.ShapeDtypeStruct((_B, _H), _f32),
            jax.ShapeDtypeStruct((_B, 1), _f32),
        ],
    )(p0, p1, c0, c1, uu, batchT, u, *nw)


def _glob_body(ub, gsb, gcb, W1a, W1b, b1, W2, b2, gm, bt, uo):
    mean = gsb[...] / jnp.maximum(gcb[...], 1.0)
    h1 = _gelu(jnp.dot(ub[...], W1a[...], preferred_element_type=_f32)
               + jnp.dot(mean, W1b[...], preferred_element_type=_f32)
               + b1[...])
    uo[...] = _mlp_ln(h1, W2[...], b2[...], gm[...], bt[...])


def _make_glob(u, gs, gc, gw):
    return pl.pallas_call(
        _glob_body,
        out_shape=jax.ShapeDtypeStruct((_B, _H), _f32),
    )(u, gs, gc, *gw)


def kernel(x, edge_index, edge_attr, u, batch,
           e_W1, e_b1, e_W2, e_b2, e_gm, e_bt,
           n1_W1, n1_b1, n1_W2, n1_b2, n1_gm, n1_bt,
           n2_W1, n2_b1, n2_W2, n2_b2, n2_gm, n2_bt,
           g_W1, g_b1, g_W2, g_b2, g_gm, g_bt):
    row = edge_index[0]
    col = edge_index[1]
    pad = _E_PAD - _E
    colg = jnp.concatenate([col, jnp.zeros((pad,), jnp.int32)]).reshape(-1, _CHUNK)
    rows_sc = jnp.concatenate([row, jnp.full((pad,), _N, jnp.int32)]).reshape(-1, _CHUNK)
    batch2d = batch.reshape(_N, 1)
    batchT = batch.reshape(_N // _NBLK, 1, _NBLK)
    r2 = lambda v: v.reshape(1, _H)

    zcnt = jnp.zeros((_N_PAD, 8), _f32)
    onesb = jnp.ones((_CHUNK, 8), _f32)
    a_tab, uu = _make_prep(x, batch2d, u, e_W1[0:_H], e_W1[3 * _H:4 * _H])
    asrc, dstg, c0, c1 = _sc_gather(a_tab, x, rows_sc, colg, zcnt, onesb)

    eye4 = jnp.eye(4, dtype=_f32)
    bd = lambda w: jnp.kron(eye4, w)
    t4 = lambda v: jnp.tile(v.reshape(1, _H), (1, 4))
    Mavg = jnp.kron(eye4, jnp.full((_H, _H), 1.0 / _H, _f32))

    ew = (bd(e_W1[_H:2 * _H]), bd(e_W1[2 * _H:3 * _H]), t4(e_b1),
          bd(e_W2), t4(e_b2), t4(e_gm), t4(e_bt))
    nw = (bd(n1_W1[0:_H]), bd(n1_W1[_H:2 * _H]), t4(n1_b1),
          bd(n1_W2), t4(n1_b2), t4(n1_gm), t4(n1_bt))
    asrc4 = asrc.reshape(_E_PAD // 4, 4 * _H)
    dstg4 = dstg.reshape(_E_PAD // 4, 4 * _H)
    ea4 = edge_attr.reshape(_E // 4, 4 * _H)
    eo4, m4 = _make_edge(asrc4, dstg4, ea4, ew, nw, Mavg)
    edge_out = eo4.reshape(_E, _H)
    m = m4.reshape(_E_PAD, _H)

    zsum = jnp.zeros((_N_PAD, _H), _f32)
    s0, s1 = _sc_scatter(m, rows_sc, zsum)

    n2w = (n2_W1[0:_H], n2_W1[_H:2 * _H], r2(n2_b1),
           n2_W2, r2(n2_b2), r2(n2_gm), r2(n2_bt))
    x_new, gs, gc = _make_node(s0, s1, c0, c1, uu, batchT, u, n2w)

    gw = (g_W1[0:_H], g_W1[_H:2 * _H], r2(g_b1),
          g_W2, r2(g_b2), r2(g_gm), r2(g_bt))
    u_new = _make_glob(u, gs, gc, gw)

    return (x_new, edge_out, u_new)

# --- scband reference (transcript-rebuilt; emitter-appended) ---
"""Pipeline reference for scband-my-gnnlayer-82377472738077 (READ-ONLY COPY).

The authoritative reference and input builder live on the scoring server;
editing this copy changes nothing except your own understanding.
"""

import jax, jax.numpy as jnp
import numpy as np

N = 50000
E = 800000
B = 64
H = 32


def _resmlp(x, W1, b1, W2, b2, gm, bt):
    h = jax.nn.gelu(jnp.dot(x, W1) + b1, approximate=False)
    h = jax.nn.gelu(jnp.dot(h, W2) + b2, approximate=False)
    if h.shape == x.shape:
        h = h + x
    mu = jnp.mean(h, axis=-1, keepdims=True)
    var = jnp.var(h, axis=-1, keepdims=True)
    return (h - mu) / jnp.sqrt(var + 1e-5) * gm + bt


def _scatter_mean(vals, idx, size):
    s = jax.ops.segment_sum(vals, idx, num_segments=size)
    c = jax.ops.segment_sum(jnp.ones((vals.shape[0], 1), vals.dtype), idx, num_segments=size)
    return s / jnp.maximum(c, 1.0)


def _mk_mlp(key, din, h):
    k1, k2 = jax.random.split(key)
    return [jax.random.normal(k1, (din, h), dtype=jnp.float32) / np.sqrt(din),
            jnp.zeros((h,), jnp.float32),
            jax.random.normal(k2, (h, h), dtype=jnp.float32) / np.sqrt(h),
            jnp.zeros((h,), jnp.float32),
            jnp.ones((h,), jnp.float32),
            jnp.zeros((h,), jnp.float32)]


def setup_inputs(seed: int = 0):
    key = jax.random.key(seed)
    ks = jax.random.split(key, 9)
    inp = {}
    inp["x"] = jax.random.normal(ks[0], (N, H), dtype=jnp.float32)
    inp["edge_index"] = jax.random.randint(ks[1], (2, E), 0, N, dtype=jnp.int32)
    inp["edge_attr"] = jax.random.normal(ks[2], (E, H), dtype=jnp.float32)
    inp["u"] = jax.random.normal(ks[3], (B, H), dtype=jnp.float32)
    inp["batch"] = jnp.sort(jax.random.randint(ks[4], (N,), 0, B, dtype=jnp.int32))
    for name, din, k in [("e", 4 * H, ks[5]), ("n1", 2 * H, ks[6]), ("n2", 2 * H, ks[7]), ("g", 2 * H, ks[8])]:
        for s, v in zip(["W1", "b1", "W2", "b2", "gm", "bt"], _mk_mlp(k, din, H)):
            inp[name + "_" + s] = v
    return inp


def reference(x, edge_index, edge_attr, u, batch,
              e_W1, e_b1, e_W2, e_b2, e_gm, e_bt,
              n1_W1, n1_b1, n1_W2, n1_b2, n1_gm, n1_bt,
              n2_W1, n2_b1, n2_W2, n2_b2, n2_gm, n2_bt,
              g_W1, g_b1, g_W2, g_b2, g_gm, g_bt):
    row = edge_index[0]
    col = edge_index[1]
    src = jnp.take(x, row, axis=0)
    dst = jnp.take(x, col, axis=0)
    u_edge = jnp.take(u, jnp.take(batch, row, axis=0), axis=0)
    e_in = jnp.concatenate([src, dst, edge_attr, u_edge], axis=1)
    edge_out = _resmlp(e_in, e_W1, e_b1, e_W2, e_b2, e_gm, e_bt)
    m = _resmlp(jnp.concatenate([dst, edge_out], axis=1), n1_W1, n1_b1, n1_W2, n1_b2, n1_gm, n1_bt)
    agg = _scatter_mean(m, row, N)
    x_new = _resmlp(jnp.concatenate([agg, jnp.take(u, batch, axis=0)], axis=1), n2_W1, n2_b1, n2_W2, n2_b2, n2_gm, n2_bt)
    u_new = _resmlp(jnp.concatenate([u, _scatter_mean(x_new, batch, B)], axis=1), g_W1, g_b1, g_W2, g_b2, g_gm, g_bt)
    return (x_new, edge_out, u_new)

if __name__ == "__main__":
    import jax
    _d = setup_inputs()
    print(jax.jit(kernel)(*tuple(_d.values())))

</pallas_src>

<mosaic_0001>
#map = affine_map<(d0, d1) -> (0, 0)>
module attributes {stable_mosaic.version = 14 : i64} {
  func.func @k(%arg0: i32, %arg1: i32, %arg2: memref<802816x32xf32, #tpu.memory_space<hbm>>, %arg3: memref<6272x128xi32, #tpu.memory_space<hbm>>, %arg4: memref<50048x32xf32, #tpu.memory_space<hbm>>, %arg5: memref<50048x32xf32, #tpu.memory_space<hbm>>, %arg6: memref<50048x32xf32, #tpu.memory_space<hbm>>, %arg7: memref<50048x32xf32, #tpu.memory_space<vmem_shared>>, %arg8: memref<4x128xi32, #tpu.memory_space<vmem>>, %arg9: memref<512x32xf32, #tpu.memory_space<vmem>>) attributes {dimension_semantics = [#tpu.dimension_semantics<core_parallel>, #tpu.dimension_semantics<subcore_parallel>], iteration_bounds = array<i64: 2, 16>, scalar_prefetch = 0 : i64, scratch_operands = 3 : i64, tpu.core_type = #tpu.core_type<sc_vector_subcore>, window_params = [{transform_indices = #map}, {transform_indices = #map}, {transform_indices = #map}, {transform_indices = #map}, {transform_indices = #map}]} {
    %mul3A = arith.constant 2 : i32
    %mul3A_0 = arith.muli %arg1, %mul3A : i32
    %add3A = arith.addi %mul3A_0, %arg0 : i32
    %mul3A_1 = arith.constant 3128 : i32
    %mul3A_2 = arith.muli %arg1, %mul3A_1 : i32
    "tpu.region"() ({
      %run_scoped3A = tpu.sem_alloc : memref<!tpu.dma_semaphore, #tpu.memory_space<semaphore_mem>>
      %dma_start3A = arith.constant 0 : i32
      %dma_start3A_15 = tpu.memref_slice %arg7[%mul3A_2, %dma_start3A] : memref<50048x32xf32, #tpu.memory_space<vmem_shared>> -> memref<3128x32xf32, #tpu.memory_space<vmem_shared>>
      %dma_start3A_16 = arith.constant 0 : i32
      %dma_start3A_17 = tpu.memref_slice %arg4[%mul3A_2, %dma_start3A_16] : memref<50048x32xf32, #tpu.memory_space<hbm>> -> memref<3128x32xf32, #tpu.memory_space<hbm>>
      tpu.enqueue_dma source(%dma_start3A_17 : memref<3128x32xf32, #tpu.memory_space<hbm>>) target(%dma_start3A_15 : memref<3128x32xf32, #tpu.memory_space<vmem_shared>>) target_semaphore(%run_scoped3A : memref<!tpu.dma_semaphore, #tpu.memory_space<semaphore_mem>>)
      %dma_wait3A = arith.constant 0 : i32
      %dma_wait3A_18 = tpu.memref_slice %arg7[%mul3A_2, %dma_wait3A] : memref<50048x32xf32, #tpu.memory_space<vmem_shared>> -> memref<3128x32xf32, #tpu.memory_space<vmem_shared>>
      %dma_wait3A_19 = arith.constant 0 : i32
      %dma_wait3A_20 = tpu.memref_slice %arg4[%mul3A_2, %dma_wait3A_19] : memref<50048x32xf32, #tpu.memory_space<hbm>> -> memref<3128x32xf32, #tpu.memory_space<hbm>>
      tpu.wait_dma2 semaphore(%run_scoped3A : memref<!tpu.dma_semaphore, #tpu.memory_space<semaphore_mem>>) src(%dma_wait3A_20 : memref<3128x32xf32, #tpu.memory_space<hbm>>) dst(%dma_wait3A_18 : memref<3128x32xf32, #tpu.memory_space<vmem_shared>>)
      tpu.yield
    }) : () -> ()
    %barrier3A = arith.constant 0 : index
    tpu.barrier barrier_id(%barrier3A)
    %scan3A = arith.constant 0 : i32
    %scan3A_3 = arith.constant 49 : i32
    %scan3A_4 = arith.addi %scan3A, %scan3A_3 : i32
    %scan3A_5 = arith.constant 1 : i32
    scf.for %scan3A_15 = %scan3A to %scan3A_4 step %scan3A_5  : i32 {
      %mul3A_16 = arith.constant 196 : i32
      %mul3A_17 = arith.muli %add3A, %mul3A_16 : i32
      %mul3A_18 = arith.constant 4 : i32
      %mul3A_19 = arith.muli %scan3A_15, %mul3A_18 : i32
      %add3A_20 = arith.addi %mul3A_17, %mul3A_19 : i32
      "tpu.region"() ({
        %run_scoped3A_26 = tpu.sem_alloc : memref<!tpu.dma_semaphore, #tpu.memory_space<semaphore_mem>>
        %dma_start3A = arith.constant 0 : i32
        %dma_start3A_27 = tpu.memref_slice %arg3[%add3A_20, %dma_start3A] : memref<6272x128xi32, #tpu.memory_space<hbm>> -> memref<4x128xi32, #tpu.memory_space<hbm>>
        %dma_start3A_28 = arith.constant 0 : i32
        %dma_start3A_29 = tpu.memref_slice %arg3[%add3A_20, %dma_start3A_28] : memref<6272x128xi32, #tpu.memory_space<hbm>> -> memref<4x128xi32, #tpu.memory_space<hbm>>
        tpu.enqueue_dma source(%dma_start3A_29 : memref<4x128xi32, #tpu.memory_space<hbm>>) target(%arg8 : memref<4x128xi32, #tpu.memory_space<vmem>>) target_semaphore(%run_scoped3A_26 : memref<!tpu.dma_semaphore, #tpu.memory_space<semaphore_mem>>)
        %dma_wait3A = arith.constant 0 : i32
        %dma_wait3A_30 = tpu.memref_slice %arg3[%add3A_20, %dma_wait3A] : memref<6272x128xi32, #tpu.memory_space<hbm>> -> memref<4x128xi32, #tpu.memory_space<hbm>>
        %dma_wait3A_31 = arith.constant 0 : i32
        %dma_wait3A_32 = tpu.memref_slice %arg3[%add3A_20, %dma_wait3A_31] : memref<6272x128xi32, #tpu.memory_space<hbm>> -> memref<4x128xi32, #tpu.memory_space<hbm>>
        tpu.wait_dma2 semaphore(%run_scoped3A_26 : memref<!tpu.dma_semaphore, #tpu.memory_space<semaphore_mem>>) src(%dma_wait3A_32 : memref<4x128xi32, #tpu.memory_space<hbm>>) dst(%arg8 : memref<4x128xi32, #tpu.memory_space<vmem>>)
        tpu.yield
      }) : () -> ()
      %mul3A_21 = arith.constant 128 : i32
      %mul3A_22 = arith.muli %add3A_20, %mul3A_21 : i32
      "tpu.region"() ({
        %run_scoped3A_26 = tpu.sem_alloc : memref<!tpu.dma_semaphore, #tpu.memory_space<semaphore_mem>>
        %dma_start3A = arith.constant 0 : i32
        %dma_start3A_27 = tpu.memref_slice %arg2[%mul3A_22, %dma_start3A] : memref<802816x32xf32, #tpu.memory_space<hbm>> -> memref<512x32xf32, #tpu.memory_space<hbm>>
        %dma_start3A_28 = arith.constant 0 : i32
        %dma_start3A_29 = tpu.memref_slice %arg2[%mul3A_22, %dma_start3A_28] : memref<802816x32xf32, #tpu.memory_space<hbm>> -> memref<512x32xf32, #tpu.memory_space<hbm>>
        tpu.enqueue_dma source(%dma_start3A_29 : memref<512x32xf32, #tpu.memory_space<hbm>>) target(%arg9 : memref<512x32xf32, #tpu.memory_space<vmem>>) target_semaphore(%run_scoped3A_26 : memref<!tpu.dma_semaphore, #tpu.memory_space<semaphore_mem>>)
        %dma_wait3A = arith.constant 0 : i32
        %dma_wait3A_30 = tpu.memref_slice %arg2[%mul3A_22, %dma_wait3A] : memref<802816x32xf32, #tpu.memory_space<hbm>> -> memref<512x32xf32, #tpu.memory_space<hbm>>
        %dma_wait3A_31 = arith.constant 0 : i32
        %dma_wait3A_32 = tpu.memref_slice %arg2[%mul3A_22, %dma_wait3A_31] : memref<802816x32xf32, #tpu.memory_space<hbm>> -> memref<512x32xf32, #tpu.memory_space<hbm>>
        tpu.wait_dma2 semaphore(%run_scoped3A_26 : memref<!tpu.dma_semaphore, #tpu.memory_space<semaphore_mem>>) src(%dma_wait3A_32 : memref<512x32xf32, #tpu.memory_space<hbm>>) dst(%arg9 : memref<512x32xf32, #tpu.memory_space<vmem>>)
        tpu.yield
      }) : () -> ()
      %run_scoped3A = arith.constant 0 : i32
      "tpu.region"() ({
        %run_scoped3A_26 = tpu.sem_alloc : memref<!tpu.dma_semaphore, #tpu.memory_space<semaphore_mem>>
        %dma_start3A = arith.constant 0 : i32
        %dma_start3A_27 = arith.constant 0 : i32
        %dma_start3A_28 = tpu.memref_slice %arg9[%dma_start3A, %dma_start3A_27] : memref<512x32xf32, #tpu.memory_space<vmem>> -> memref<128x32xf32, #tpu.memory_space<vmem>>
        %dma_start3A_29 = arith.constant 0 : i32
        %dma_start3A_30 = tpu.memref_slice %arg8[%run_scoped3A, %dma_start3A_29] : memref<4x128xi32, #tpu.memory_space<vmem>> -> memref<1x128xi32, #tpu.memory_space<vmem>>
        %dma_start3A_31 = tpu.memref_squeeze %dma_start3A_30 : memref<1x128xi32, #tpu.memory_space<vmem>> -> memref<128xi32, #tpu.memory_space<vmem>>
        %dma_start3A_32 = arith.constant 0 : i32
        %dma_start3A_33 = arith.constant 0 : i32
        %dma_start3A_34 = tpu.memref_slice %arg7[%dma_start3A_32, %dma_start3A_33] : memref<50048x32xf32, #tpu.memory_space<vmem_shared>> -> memref<50048x32xf32, #tpu.memory_space<vmem_shared>>
        tpu.enqueue_indirect_dma source(%dma_start3A_28 : memref<128x32xf32, #tpu.memory_space<vmem>>) target(%dma_start3A_34 : memref<50048x32xf32, #tpu.memory_space<vmem_shared>>) offsets(%dma_start3A_31 : memref<128xi32, #tpu.memory_space<vmem>>) semaphore(%run_scoped3A_26 : memref<!tpu.dma_semaphore, #tpu.memory_space<semaphore_mem>>) {add = true}
        %dma_wait3A = arith.constant 0 : i32
        %dma_wait3A_35 = arith.constant 0 : i32
        %dma_wait3A_36 = tpu.memref_slice %arg9[%dma_wait3A, %dma_wait3A_35] : memref<512x32xf32, #tpu.memory_space<vmem>> -> memref<128x32xf32, #tpu.memory_space<vmem>>
        %dma_wait3A_37 = arith.constant 0 : i32
        %dma_wait3A_38 = tpu.memref_slice %arg8[%run_scoped3A, %dma_wait3A_37] : memref<4x128xi32, #tpu.memory_space<vmem>> -> memref<1x128xi32, #tpu.memory_space<vmem>>
        %dma_wait3A_39 = tpu.memref_squeeze %dma_wait3A_38 : memref<1x128xi32, #tpu.memory_space<vmem>> -> memref<128xi32, #tpu.memory_space<vmem>>
        %dma_wait3A_40 = arith.constant 0 : i32
        %dma_wait3A_41 = arith.constant 0 : i32
        %dma_wait3A_42 = tpu.memref_slice %arg7[%dma_wait3A_40, %dma_wait3A_41] : memref<50048x32xf32, #tpu.memory_space<vmem_shared>> -> memref<50048x32xf32, #tpu.memory_space<vmem_shared>>
        tpu.wait_indirect_dma semaphore(%run_scoped3A_26 : memref<!tpu.dma_semaphore, #tpu.memory_space<semaphore_mem>>) src(%dma_wait3A_36 : memref<128x32xf32, #tpu.memory_space<vmem>>) dst(%dma_wait3A_42 : memref<50048x32xf32, #tpu.memory_space<vmem_shared>>)
        tpu.yield
      }) : () -> ()
      %run_scoped3A_23 = arith.constant 1 : i32
      "tpu.region"() ({
        %run_scoped3A_26 = tpu.sem_alloc : memref<!tpu.dma_semaphore, #tpu.memory_space<semaphore_mem>>
        %dma_start3A = arith.constant 128 : i32
        %dma_start3A_27 = arith.constant 0 : i32
        %dma_start3A_28 = tpu.memref_slice %arg9[%dma_start3A, %dma_start3A_27] : memref<512x32xf32, #tpu.memory_space<vmem>> -> memref<128x32xf32, #tpu.memory_space<vmem>>
        %dma_start3A_29 = arith.constant 0 : i32
        %dma_start3A_30 = tpu.memref_slice %arg8[%run_scoped3A_23, %dma_start3A_29] : memref<4x128xi32, #tpu.memory_space<vmem>> -> memref<1x128xi32, #tpu.memory_space<vmem>>
        %dma_start3A_31 = tpu.memref_squeeze %dma_start3A_30 : memref<1x128xi32, #tpu.memory_space<vmem>> -> memref<128xi32, #tpu.memory_space<vmem>>
        %dma_start3A_32 = arith.constant 0 : i32
        %dma_start3A_33 = arith.constant 0 : i32
        %dma_start3A_34 = tpu.memref_slice %arg7[%dma_start3A_32, %dma_start3A_33] : memref<50048x32xf32, #tpu.memory_space<vmem_shared>> -> memref<50048x32xf32, #tpu.memory_space<vmem_shared>>
        tpu.enqueue_indirect_dma source(%dma_start3A_28 : memref<128x32xf32, #tpu.memory_space<vmem>>) target(%dma_start3A_34 : memref<50048x32xf32, #tpu.memory_space<vmem_shared>>) offsets(%dma_start3A_31 : memref<128xi32, #tpu.memory_space<vmem>>) semaphore(%run_scoped3A_26 : memref<!tpu.dma_semaphore, #tpu.memory_space<semaphore_mem>>) {add = true}
        %dma_wait3A = arith.constant 128 : i32
        %dma_wait3A_35 = arith.constant 0 : i32
        %dma_wait3A_36 = tpu.memref_slice %arg9[%dma_wait3A, %dma_wait3A_35] : memref<512x32xf32, #tpu.memory_space<vmem>> -> memref<128x32xf32, #tpu.memory_space<vmem>>
        %dma_wait3A_37 = arith.constant 0 : i32
        %dma_wait3A_38 = tpu.memref_slice %arg8[%run_scoped3A_23, %dma_wait3A_37] : memref<4x128xi32, #tpu.memory_space<vmem>> -> memref<1x128xi32, #tpu.memory_space<vmem>>
        %dma_wait3A_39 = tpu.memref_squeeze %dma_wait3A_38 : memref<1x128xi32, #tpu.memory_space<vmem>> -> memref<128xi32, #tpu.memory_space<vmem>>
        %dma_wait3A_40 = arith.constant 0 : i32
        %dma_wait3A_41 = arith.constant 0 : i32
        %dma_wait3A_42 = tpu.memref_slice %arg7[%dma_wait3A_40, %dma_wait3A_41] : memref<50048x32xf32, #tpu.memory_space<vmem_shared>> -> memref<50048x32xf32, #tpu.memory_space<vmem_shared>>
        tpu.wait_indirect_dma semaphore(%run_scoped3A_26 : memref<!tpu.dma_semaphore, #tpu.memory_space<semaphore_mem>>) src(%dma_wait3A_36 : memref<128x32xf32, #tpu.memory_space<vmem>>) dst(%dma_wait3A_42 : memref<50048x32xf32, #tpu.memory_space<vmem_shared>>)
        tpu.yield
      }) : () -> ()
      %run_scoped3A_24 = arith.constant 2 : i32
      "tpu.region"() ({
        %run_scoped3A_26 = tpu.sem_alloc : memref<!tpu.dma_semaphore, #tpu.memory_space<semaphore_mem>>
        %dma_start3A = arith.constant 256 : i32
        %dma_start3A_27 = arith.constant 0 : i32
        %dma_start3A_28 = tpu.memref_slice %arg9[%dma_start3A, %dma_start3A_27] : memref<512x32xf32, #tpu.memory_space<vmem>> -> memref<128x32xf32, #tpu.memory_space<vmem>>
        %dma_start3A_29 = arith.constant 0 : i32
        %dma_start3A_30 = tpu.memref_slice %arg8[%run_scoped3A_24, %dma_start3A_29] : memref<4x128xi32, #tpu.memory_space<vmem>> -> memref<1x128xi32, #tpu.memory_space<vmem>>
        %dma_start3A_31 = tpu.memref_squeeze %dma_start3A_30 : memref<1x128xi32, #tpu.memory_space<vmem>> -> memref<128xi32, #tpu.memory_space<vmem>>
        %dma_start3A_32 = arith.constant 0 : i32
        %dma_start3A_33 = arith.constant 0 : i32
        %dma_start3A_34 = tpu.memref_slice %arg7[%dma_start3A_32, %dma_start3A_33] : memref<50048x32xf32, #tpu.memory_space<vmem_shared>> -> memref<50048x32xf32, #tpu.memory_space<vmem_shared>>
        tpu.enqueue_indirect_dma source(%dma_start3A_28 : memref<128x32xf32, #tpu.memory_space<vmem>>) target(%dma_start3A_34 : memref<50048x32xf32, #tpu.memory_space<vmem_shared>>) offsets(%dma_start3A_31 : memref<128xi32, #tpu.memory_space<vmem>>) semaphore(%run_scoped3A_26 : memref<!tpu.dma_semaphore, #tpu.memory_space<semaphore_mem>>) {add = true}
        %dma_wait3A = arith.constant 256 : i32
        %dma_wait3A_35 = arith.constant 0 : i32
        %dma_wait3A_36 = tpu.memref_slice %arg9[%dma_wait3A, %dma_wait3A_35] : memref<512x32xf32, #tpu.memory_space<vmem>> -> memref<128x32xf32, #tpu.memory_space<vmem>>
        %dma_wait3A_37 = arith.constant 0 : i32
        %dma_wait3A_38 = tpu.memref_slice %arg8[%run_scoped3A_24, %dma_wait3A_37] : memref<4x128xi32, #tpu.memory_space<vmem>> -> memref<1x128xi32, #tpu.memory_space<vmem>>
        %dma_wait3A_39 = tpu.memref_squeeze %dma_wait3A_38 : memref<1x128xi32, #tpu.memory_space<vmem>> -> memref<128xi32, #tpu.memory_space<vmem>>
        %dma_wait3A_40 = arith.constant 0 : i32
        %dma_wait3A_41 = arith.constant 0 : i32
        %dma_wait3A_42 = tpu.memref_slice %arg7[%dma_wait3A_40, %dma_wait3A_41] : memref<50048x32xf32, #tpu.memory_space<vmem_shared>> -> memref<50048x32xf32, #tpu.memory_space<vmem_shared>>
        tpu.wait_indirect_dma semaphore(%run_scoped3A_26 : memref<!tpu.dma_semaphore, #tpu.memory_space<semaphore_mem>>) src(%dma_wait3A_36 : memref<128x32xf32, #tpu.memory_space<vmem>>) dst(%dma_wait3A_42 : memref<50048x32xf32, #tpu.memory_space<vmem_shared>>)
        tpu.yield
      }) : () -> ()
      %run_scoped3A_25 = arith.constant 3 : i32
      "tpu.region"() ({
        %run_scoped3A_26 = tpu.sem_alloc : memref<!tpu.dma_semaphore, #tpu.memory_space<semaphore_mem>>
        %dma_start3A = arith.constant 384 : i32
        %dma_start3A_27 = arith.constant 0 : i32
        %dma_start3A_28 = tpu.memref_slice %arg9[%dma_start3A, %dma_start3A_27] : memref<512x32xf32, #tpu.memory_space<vmem>> -> memref<128x32xf32, #tpu.memory_space<vmem>>
        %dma_start3A_29 = arith.constant 0 : i32
        %dma_start3A_30 = tpu.memref_slice %arg8[%run_scoped3A_25, %dma_start3A_29] : memref<4x128xi32, #tpu.memory_space<vmem>> -> memref<1x128xi32, #tpu.memory_space<vmem>>
        %dma_start3A_31 = tpu.memref_squeeze %dma_start3A_30 : memref<1x128xi32, #tpu.memory_space<vmem>> -> memref<128xi32, #tpu.memory_space<vmem>>
        %dma_start3A_32 = arith.constant 0 : i32
        %dma_start3A_33 = arith.constant 0 : i32
        %dma_start3A_34 = tpu.memref_slice %arg7[%dma_start3A_32, %dma_start3A_33] : memref<50048x32xf32, #tpu.memory_space<vmem_shared>> -> memref<50048x32xf32, #tpu.memory_space<vmem_shared>>
        tpu.enqueue_indirect_dma source(%dma_start3A_28 : memref<128x32xf32, #tpu.memory_space<vmem>>) target(%dma_start3A_34 : memref<50048x32xf32, #tpu.memory_space<vmem_shared>>) offsets(%dma_start3A_31 : memref<128xi32, #tpu.memory_space<vmem>>) semaphore(%run_scoped3A_26 : memref<!tpu.dma_semaphore, #tpu.memory_space<semaphore_mem>>) {add = true}
        %dma_wait3A = arith.constant 384 : i32
        %dma_wait3A_35 = arith.constant 0 : i32
        %dma_wait3A_36 = tpu.memref_slice %arg9[%dma_wait3A, %dma_wait3A_35] : memref<512x32xf32, #tpu.memory_space<vmem>> -> memref<128x32xf32, #tpu.memory_space<vmem>>
        %dma_wait3A_37 = arith.constant 0 : i32
        %dma_wait3A_38 = tpu.memref_slice %arg8[%run_scoped3A_25, %dma_wait3A_37] : memref<4x128xi32, #tpu.memory_space<vmem>> -> memref<1x128xi32, #tpu.memory_space<vmem>>
        %dma_wait3A_39 = tpu.memref_squeeze %dma_wait3A_38 : memref<1x128xi32, #tpu.memory_space<vmem>> -> memref<128xi32, #tpu.memory_space<vmem>>
        %dma_wait3A_40 = arith.constant 0 : i32
        %dma_wait3A_41 = arith.constant 0 : i32
        %dma_wait3A_42 = tpu.memref_slice %arg7[%dma_wait3A_40, %dma_wait3A_41] : memref<50048x32xf32, #tpu.memory_space<vmem_shared>> -> memref<50048x32xf32, #tpu.memory_space<vmem_shared>>
        tpu.wait_indirect_dma semaphore(%run_scoped3A_26 : memref<!tpu.dma_semaphore, #tpu.memory_space<semaphore_mem>>) src(%dma_wait3A_36 : memref<128x32xf32, #tpu.memory_space<vmem>>) dst(%dma_wait3A_42 : memref<50048x32xf32, #tpu.memory_space<vmem_shared>>)
        tpu.yield
      }) : () -> ()
    }
    %scan3A_6 = arith.constant 49 : i32
    %barrier3A_7 = arith.constant 0 : index
    tpu.barrier barrier_id(%barrier3A_7)
    %eq3A = arith.constant 0 : i32
    %eq3A_8 = arith.cmpi eq, %arg0, %eq3A : i32
    %convert_element_type3A = arith.extui %eq3A_8 : i1 to i32
    %cond3A = arith.constant 0 : i32
    %cond3A_9 = arith.cmpi ne, %convert_element_type3A, %cond3A : i32
    scf.if %cond3A_9 {
      "tpu.region"() ({
        %run_scoped3A = tpu.sem_alloc : memref<!tpu.dma_semaphore, #tpu.memory_space<semaphore_mem>>
        %dma_start3A = arith.constant 0 : i32
        %dma_start3A_15 = tpu.memref_slice %arg5[%mul3A_2, %dma_start3A] : memref<50048x32xf32, #tpu.memory_space<hbm>> -> memref<3128x32xf32, #tpu.memory_space<hbm>>
        %dma_start3A_16 = arith.constant 0 : i32
        %dma_start3A_17 = tpu.memref_slice %arg7[%mul3A_2, %dma_start3A_16] : memref<50048x32xf32, #tpu.memory_space<vmem_shared>> -> memref<3128x32xf32, #tpu.memory_space<vmem_shared>>
        tpu.enqueue_dma source(%dma_start3A_17 : memref<3128x32xf32, #tpu.memory_space<vmem_shared>>) target(%dma_start3A_15 : memref<3128x32xf32, #tpu.memory_space<hbm>>) target_semaphore(%run_scoped3A : memref<!tpu.dma_semaphore, #tpu.memory_space<semaphore_mem>>)
        %dma_wait3A = arith.constant 0 : i32
        %dma_wait3A_18 = tpu.memref_slice %arg5[%mul3A_2, %dma_wait3A] : memref<50048x32xf32, #tpu.memory_space<hbm>> -> memref<3128x32xf32, #tpu.memory_space<hbm>>
        %dma_wait3A_19 = arith.constant 0 : i32
        %dma_wait3A_20 = tpu.memref_slice %arg7[%mul3A_2, %dma_wait3A_19] : memref<50048x32xf32, #tpu.memory_space<vmem_shared>> -> memref<3128x32xf32, #tpu.memory_space<vmem_shared>>
        tpu.wait_dma2 semaphore(%run_scoped3A : memref<!tpu.dma_semaphore, #tpu.memory_space<semaphore_mem>>) src(%dma_wait3A_20 : memref<3128x32xf32, #tpu.memory_space<vmem_shared>>) dst(%dma_wait3A_18 : memref<3128x32xf32, #tpu.memory_space<hbm>>)
        tpu.yield
      }) : () -> ()
    } else {
    }
    %eq3A_10 = arith.constant 1 : i32
    %eq3A_11 = arith.cmpi eq, %arg0, %eq3A_10 : i32
    %convert_element_type3A_12 = arith.extui %eq3A_11 : i1 to i32
    %cond3A_13 = arith.constant 0 : i32
    %cond3A_14 = arith.cmpi ne, %convert_element_type3A_12, %cond3A_13 : i32
    scf.if %cond3A_14 {
      "tpu.region"() ({
        %run_scoped3A = tpu.sem_alloc : memref<!tpu.dma_semaphore, #tpu.memory_space<semaphore_mem>>
        %dma_start3A = arith.constant 0 : i32
        %dma_start3A_15 = tpu.memref_slice %arg6[%mul3A_2, %dma_start3A] : memref<50048x32xf32, #tpu.memory_space<hbm>> -> memref<3128x32xf32, #tpu.memory_space<hbm>>
        %dma_start3A_16 = arith.constant 0 : i32
        %dma_start3A_17 = tpu.memref_slice %arg7[%mul3A_2, %dma_start3A_16] : memref<50048x32xf32, #tpu.memory_space<vmem_shared>> -> memref<3128x32xf32, #tpu.memory_space<vmem_shared>>
        tpu.enqueue_dma source(%dma_start3A_17 : memref<3128x32xf32, #tpu.memory_space<vmem_shared>>) target(%dma_start3A_15 : memref<3128x32xf32, #tpu.memory_space<hbm>>) target_semaphore(%run_scoped3A : memref<!tpu.dma_semaphore, #tpu.memory_space<semaphore_mem>>)
        %dma_wait3A = arith.constant 0 : i32
        %dma_wait3A_18 = tpu.memref_slice %arg6[%mul3A_2, %dma_wait3A] : memref<50048x32xf32, #tpu.memory_space<hbm>> -> memref<3128x32xf32, #tpu.memory_space<hbm>>
        %dma_wait3A_19 = arith.constant 0 : i32
        %dma_wait3A_20 = tpu.memref_slice %arg7[%mul3A_2, %dma_wait3A_19] : memref<50048x32xf32, #tpu.memory_space<vmem_shared>> -> memref<3128x32xf32, #tpu.memory_space<vmem_shared>>
        tpu.wait_dma2 semaphore(%run_scoped3A : memref<!tpu.dma_semaphore, #tpu.memory_space<semaphore_mem>>) src(%dma_wait3A_20 : memref<3128x32xf32, #tpu.memory_space<vmem_shared>>) dst(%dma_wait3A_18 : memref<3128x32xf32, #tpu.memory_space<hbm>>)
        tpu.yield
      }) : () -> ()
    } else {
    }
    return
  }
}

#map = affine_map<(d0, d1) -> (0, 0)>
module attributes {stable_mosaic.version = 14 : i64} {
  func.func @k(%arg0: i32, %arg1: i32, %arg2: memref<50048x32xf32, #tpu.memory_space<hbm>>, %arg3: memref<50000x32xf32, #tpu.memory_space<hbm>>, %arg4: memref<6272x128xi32, #tpu.memory_space<hbm>>, %arg5: memref<6272x128xi32, #tpu.memory_space<hbm>>, %arg6: memref<50048x8xf32, #tpu.memory_space<hbm>>, %arg7: memref<128x8xf32, #tpu.memory_space<hbm>>, %arg8: memref<802816x32xf32, #tpu.memory_space<hbm>>, %arg9: memref<802816x32xf32, #tpu.memory_space<hbm>>, %arg10: memref<50048x8xf32, #tpu.memory_space<hbm>>, %arg11: memref<50048x8xf32, #tpu.memory_space<hbm>>, %arg12: memref<50048x8xf32, #tpu.memory_space<vmem_shared>>, %arg13: memref<4x128xi32, #tpu.memory_space<vmem>>, %arg14: memref<4x128xi32, #tpu.memory_space<vmem>>, %arg15: memref<512x32xf32, #tpu.memory_space<vmem>>, %arg16: memref<512x32xf32, #tpu.memory_space<vmem>>, %arg17: memref<128x8xf32, #tpu.memory_space<vmem>>, %arg18: memref<!tpu.dma_semaphore, #tpu.memory_space<semaphore_mem>>) attributes {dimension_semantics = [#tpu.dimension_semantics<core_parallel>, #tpu.dimension_semantics<subcore_parallel>], iteration_bounds = array<i64: 2, 16>, scalar_prefetch = 0 : i64, scratch_operands = 7 : i64, tpu.core_type = #tpu.core_type<sc_vector_subcore>, window_params = [{transform_indices = #map}, {transform_indices = #map}, {transform_indices = #map}, {transform_indices = #map}, {transform_indices = #map}, {transform_indices = #map}, {transform_indices = #map}, {transform_indices = #map}, {transform_indices = #map}, {transform_indices = #map}]} {
    %mul3A = arith.constant 2 : i32
    %mul3A_0 = arith.muli %arg1, %mul3A : i32
    %add3A = arith.addi %mul3A_0, %arg0 : i32
    %mul3A_1 = arith.constant 3128 : i32
    %mul3A_2 = arith.muli %arg1, %mul3A_1 : i32
    "tpu.region"() ({
      %run_scoped3A = tpu.sem_alloc : memref<!tpu.dma_semaphore, #tpu.memory_space<semaphore_mem>>
      %dma_start3A = arith.constant 0 : i32
      %dma_start3A_15 = tpu.memref_slice %arg12[%mul3A_2, %dma_start3A] : memref<50048x8xf32, #tpu.memory_space<vmem_shared>> -> memref<3128x8xf32, #tpu.memory_space<vmem_shared>>
      %dma_start3A_16 = arith.constant 0 : i32
      %dma_start3A_17 = tpu.memref_slice %arg6[%mul3A_2, %dma_start3A_16] : memref<50048x8xf32, #tpu.memory_space<hbm>> -> memref<3128x8xf32, #tpu.memory_space<hbm>>
      tpu.enqueue_dma source(%dma_start3A_17 : memref<3128x8xf32, #tpu.memory_space<hbm>>) target(%dma_start3A_15 : memref<3128x8xf32, #tpu.memory_space<vmem_shared>>) target_semaphore(%run_scoped3A : memref<!tpu.dma_semaphore, #tpu.memory_space<semaphore_mem>>)
      %dma_wait3A = arith.constant 0 : i32
      %dma_wait3A_18 = tpu.memref_slice %arg12[%mul3A_2, %dma_wait3A] : memref<50048x8xf32, #tpu.memory_space<vmem_shared>> -> memref<3128x8xf32, #tpu.memory_space<vmem_shared>>
      %dma_wait3A_19 = arith.constant 0 : i32
      %dma_wait3A_20 = tpu.memref_slice %arg6[%mul3A_2, %dma_wait3A_19] : memref<50048x8xf32, #tpu.memory_space<hbm>> -> memref<3128x8xf32, #tpu.memory_space<hbm>>
      tpu.wait_dma2 semaphore(%run_scoped3A : memref<!tpu.dma_semaphore, #tpu.memory_space<semaphore_mem>>) src(%dma_wait3A_20 : memref<3128x8xf32, #tpu.memory_space<hbm>>) dst(%dma_wait3A_18 : memref<3128x8xf32, #tpu.memory_space<vmem_shared>>)
      tpu.yield
    }) : () -> ()
    "tpu.region"() ({
      %run_scoped3A = tpu.sem_alloc : memref<!tpu.dma_semaphore, #tpu.memory_space<semaphore_mem>>
      tpu.enqueue_dma source(%arg7 : memref<128x8xf32, #tpu.memory_space<hbm>>) target(%arg17 : memref<128x8xf32, #tpu.memory_space<vmem>>) target_semaphore(%run_scoped3A : memref<!tpu.dma_semaphore, #tpu.memory_space<semaphore_mem>>)
      tpu.wait_dma2 semaphore(%run_scoped3A : memref<!tpu.dma_semaphore, #tpu.memory_space<semaphore_mem>>) src(%arg7 : memref<128x8xf32, #tpu.memory_space<hbm>>) dst(%arg17 : memref<128x8xf32, #tpu.memory_space<vmem>>)
      tpu.yield
    }) : () -> ()
    %barrier3A = arith.constant 0 : index
    tpu.barrier barrier_id(%barrier3A)
    %scan3A = arith.constant 0 : i32
    %scan3A_3 = arith.constant 49 : i32
    %scan3A_4 = arith.addi %scan3A, %scan3A_3 : i32
    %scan3A_5 = arith.constant 1 : i32
    scf.for %scan3A_15 = %scan3A to %scan3A_4 step %scan3A_5  : i32 {
      %mul3A_16 = arith.constant 196 : i32
      %mul3A_17 = arith.muli %add3A, %mul3A_16 : i32
      %mul3A_18 = arith.constant 4 : i32
      %mul3A_19 = arith.muli %scan3A_15, %mul3A_18 : i32
      %add3A_20 = arith.addi %mul3A_17, %mul3A_19 : i32
      "tpu.region"() ({
        %run_scoped3A_184 = tpu.sem_alloc : memref<!tpu.dma_semaphore, #tpu.memory_space<semaphore_mem>>
        %dma_start3A_185 = arith.constant 0 : i32
        %dma_start3A_186 = tpu.memref_slice %arg4[%add3A_20, %dma_start3A_185] : memref<6272x128xi32, #tpu.memory_space<hbm>> -> memref<4x128xi32, #tpu.memory_space<hbm>>
        %dma_start3A_187 = arith.constant 0 : i32
        %dma_start3A_188 = tpu.memref_slice %arg4[%add3A_20, %dma_start3A_187] : memref<6272x128xi32, #tpu.memory_space<hbm>> -> memref<4x128xi32, #tpu.memory_space<hbm>>
        tpu.enqueue_dma source(%dma_start3A_188 : memref<4x128xi32, #tpu.memory_space<hbm>>) target(%arg13 : memref<4x128xi32, #tpu.memory_space<vmem>>) target_semaphore(%run_scoped3A_184 : memref<!tpu.dma_semaphore, #tpu.memory_space<semaphore_mem>>)
        %dma_wait3A_189 = arith.constant 0 : i32
        %dma_wait3A_190 = tpu.memref_slice %arg4[%add3A_20, %dma_wait3A_189] : memref<6272x128xi32, #tpu.memory_space<hbm>> -> memref<4x128xi32, #tpu.memory_space<hbm>>
        %dma_wait3A_191 = arith.constant 0 : i32
        %dma_wait3A_192 = tpu.memref_slice %arg4[%add3A_20, %dma_wait3A_191] : memref<6272x128xi32, #tpu.memory_space<hbm>> -> memref<4x128xi32, #tpu.memory_space<hbm>>
        tpu.wait_dma2 semaphore(%run_scoped3A_184 : memref<!tpu.dma_semaphore, #tpu.memory_space<semaphore_mem>>) src(%dma_wait3A_192 : memref<4x128xi32, #tpu.memory_space<hbm>>) dst(%arg13 : memref<4x128xi32, #tpu.memory_space<vmem>>)
        tpu.yield
      }) : () -> ()
      "tpu.region"() ({
        %run_scoped3A_184 = tpu.sem_alloc : memref<!tpu.dma_semaphore, #tpu.memory_space<semaphore_mem>>
        %dma_start3A_185 = arith.constant 0 : i32
        %dma_start3A_186 = tpu.memref_slice %arg5[%add3A_20, %dma_start3A_185] : memref<6272x128xi32, #tpu.memory_space<hbm>> -> memref<4x128xi32, #tpu.memory_space<hbm>>
        %dma_start3A_187 = arith.constant 0 : i32
        %dma_start3A_188 = tpu.memref_slice %arg5[%add3A_20, %dma_start3A_187] : memref<6272x128xi32, #tpu.memory_space<hbm>> -> memref<4x128xi32, #tpu.memory_space<hbm>>
        tpu.enqueue_dma source(%dma_start3A_188 : memref<4x128xi32, #tpu.memory_space<hbm>>) target(%arg14 : memref<4x128xi32, #tpu.memory_space<vmem>>) target_semaphore(%run_scoped3A_184 : memref<!tpu.dma_semaphore, #tpu.memory_space<semaphore_mem>>)
        %dma_wait3A_189 = arith.constant 0 : i32
        %dma_wait3A_190 = tpu.memref_slice %arg5[%add3A_20, %dma_wait3A_189] : memref<6272x128xi32, #tpu.memory_space<hbm>> -> memref<4x128xi32, #tpu.memory_space<hbm>>
        %dma_wait3A_191 = arith.constant 0 : i32
        %dma_wait3A_192 = tpu.memref_slice %arg5[%add3A_20, %dma_wait3A_191] : memref<6272x128xi32, #tpu.memory_space<hbm>> -> memref<4x128xi32, #tpu.memory_space<hbm>>
        tpu.wait_dma2 semaphore(%run_scoped3A_184 : memref<!tpu.dma_semaphore, #tpu.memory_space<semaphore_mem>>) src(%dma_wait3A_192 : memref<4x128xi32, #tpu.memory_space<hbm>>) dst(%arg14 : memref<4x128xi32, #tpu.memory_space<vmem>>)
        tpu.yield
      }) : () -> ()
      %dma_start3A = arith.constant 0 : i32
      %dma_start3A_21 = arith.constant 0 : i32
      %dma_start3A_22 = arith.constant 0 : i32
      %dma_start3A_23 = tpu.memref_slice %arg15[%dma_start3A_21, %dma_start3A_22] : memref<512x32xf32, #tpu.memory_space<vmem>> -> memref<128x32xf32, #tpu.memory_space<vmem>>
      %dma_start3A_24 = arith.constant 0 : i32
      %dma_start3A_25 = tpu.memref_slice %arg13[%dma_start3A, %dma_start3A_24] : memref<4x128xi32, #tpu.memory_space<vmem>> -> memref<1x128xi32, #tpu.memory_space<vmem>>
      %dma_start3A_26 = tpu.memref_squeeze %dma_start3A_25 : memref<1x128xi32, #tpu.memory_space<vmem>> -> memref<128xi32, #tpu.memory_space<vmem>>
      %dma_start3A_27 = arith.constant 0 : i32
      %dma_start3A_28 = arith.constant 0 : i32
      %dma_start3A_29 = tpu.memref_slice %arg2[%dma_start3A_27, %dma_start3A_28] : memref<50048x32xf32, #tpu.memory_space<hbm>> -> memref<50048x32xf32, #tpu.memory_space<hbm>>
      tpu.enqueue_indirect_dma source(%dma_start3A_29 : memref<50048x32xf32, #tpu.memory_space<hbm>>) target(%dma_start3A_23 : memref<128x32xf32, #tpu.memory_space<vmem>>) offsets(%dma_start3A_26 : memref<128xi32, #tpu.memory_space<vmem>>) semaphore(%arg18 : memref<!tpu.dma_semaphore, #tpu.memory_space<semaphore_mem>>)
      %dma_start3A_30 = arith.constant 0 : i32
      %dma_start3A_31 = arith.constant 0 : i32
      %dma_start3A_32 = arith.constant 0 : i32
      %dma_start3A_33 = tpu.memref_slice %arg16[%dma_start3A_31, %dma_start3A_32] : memref<512x32xf32, #tpu.memory_space<vmem>> -> memref<128x32xf32, #tpu.memory_space<vmem>>
      %dma_start3A_34 = arith.constant 0 : i32
      %dma_start3A_35 = tpu.memref_slice %arg14[%dma_start3A_30, %dma_start3A_34] : memref<4x128xi32, #tpu.memory_space<vmem>> -> memref<1x128xi32, #tpu.memory_space<vmem>>
      %dma_start3A_36 = tpu.memref_squeeze %dma_start3A_35 : memref<1x128xi32, #tpu.memory_space<vmem>> -> memref<128xi32, #tpu.memory_space<vmem>>
      %dma_start3A_37 = arith.constant 0 : i32
      %dma_start3A_38 = arith.constant 0 : i32
      %dma_start3A_39 = tpu.memref_slice %arg3[%dma_start3A_37, %dma_start3A_38] : memref<50000x32xf32, #tpu.memory_space<hbm>> -> memref<50000x32xf32, #tpu.memory_space<hbm>>
      tpu.enqueue_indirect_dma source(%dma_start3A_39 : memref<50000x32xf32, #tpu.memory_space<hbm>>) target(%dma_start3A_33 : memref<128x32xf32, #tpu.memory_space<vmem>>) offsets(%dma_start3A_36 : memref<128xi32, #tpu.memory_space<vmem>>) semaphore(%arg18 : memref<!tpu.dma_semaphore, #tpu.memory_space<semaphore_mem>>)
      %dma_start3A_40 = arith.constant 1 : i32
      %dma_start3A_41 = arith.constant 128 : i32
      %dma_start3A_42 = arith.constant 0 : i32
      %dma_start3A_43 = tpu.memref_slice %arg15[%dma_start3A_41, %dma_start3A_42] : memref<512x32xf32, #tpu.memory_space<vmem>> -> memref<128x32xf32, #tpu.memory_space<vmem>>
      %dma_start3A_44 = arith.constant 0 : i32
      %dma_start3A_45 = tpu.memref_slice %arg13[%dma_start3A_40, %dma_start3A_44] : memref<4x128xi32, #tpu.memory_space<vmem>> -> memref<1x128xi32, #tpu.memory_space<vmem>>
      %dma_start3A_46 = tpu.memref_squeeze %dma_start3A_45 : memref<1x128xi32, #tpu.memory_space<vmem>> -> memref<128xi32, #tpu.memory_space<vmem>>
      %dma_start3A_47 = arith.constant 0 : i32
      %dma_start3A_48 = arith.constant 0 : i32
      %dma_start3A_49 = tpu.memref_slice %arg2[%dma_start3A_47, %dma_start3A_48] : memref<50048x32xf32, #tpu.memory_space<hbm>> -> memref<50048x32xf32, #tpu.memory_space<hbm>>
      tpu.enqueue_indirect_dma source(%dma_start3A_49 : memref<50048x32xf32, #tpu.memory_space<hbm>>) target(%dma_start3A_43 : memref<128x32xf32, #tpu.memory_space<vmem>>) offsets(%dma_start3A_46 : memref<128xi32, #tpu.memory_space<vmem>>) semaphore(%arg18 : memref<!tpu.dma_semaphore, #tpu.memory_space<semaphore_mem>>)
      %dma_start3A_50 = arith.constant 1 : i32
      %dma_start3A_51 = arith.constant 128 : i32
      %dma_start3A_52 = arith.constant 0 : i32
      %dma_start3A_53 = tpu.memref_slice %arg16[%dma_start3A_51, %dma_start3A_52] : memref<512x32xf32, #tpu.memory_space<vmem>> -> memref<128x32xf32, #tpu.memory_space<vmem>>
      %dma_start3A_54 = arith.constant 0 : i32
      %dma_start3A_55 = tpu.memref_slice %arg14[%dma_start3A_50, %dma_start3A_54] : memref<4x128xi32, #tpu.memory_space<vmem>> -> memref<1x128xi32, #tpu.memory_space<vmem>>
      %dma_start3A_56 = tpu.memref_squeeze %dma_start3A_55 : memref<1x128xi32, #tpu.memory_space<vmem>> -> memref<128xi32, #tpu.memory_space<vmem>>
      %dma_start3A_57 = arith.constant 0 : i32
      %dma_start3A_58 = arith.constant 0 : i32
      %dma_start3A_59 = tpu.memref_slice %arg3[%dma_start3A_57, %dma_start3A_58] : memref<50000x32xf32, #tpu.memory_space<hbm>> -> memref<50000x32xf32, #tpu.memory_space<hbm>>
      tpu.enqueue_indirect_dma source(%dma_start3A_59 : memref<50000x32xf32, #tpu.memory_space<hbm>>) target(%dma_start3A_53 : memref<128x32xf32, #tpu.memory_space<vmem>>) offsets(%dma_start3A_56 : memref<128xi32, #tpu.memory_space<vmem>>) semaphore(%arg18 : memref<!tpu.dma_semaphore, #tpu.memory_space<semaphore_mem>>)
      %dma_start3A_60 = arith.constant 2 : i32
      %dma_start3A_61 = arith.constant 256 : i32
      %dma_start3A_62 = arith.constant 0 : i32
      %dma_start3A_63 = tpu.memref_slice %arg15[%dma_start3A_61, %dma_start3A_62] : memref<512x32xf32, #tpu.memory_space<vmem>> -> memref<128x32xf32, #tpu.memory_space<vmem>>
      %dma_start3A_64 = arith.constant 0 : i32
      %dma_start3A_65 = tpu.memref_slice %arg13[%dma_start3A_60, %dma_start3A_64] : memref<4x128xi32, #tpu.memory_space<vmem>> -> memref<1x128xi32, #tpu.memory_space<vmem>>
      %dma_start3A_66 = tpu.memref_squeeze %dma_start3A_65 : memref<1x128xi32, #tpu.memory_space<vmem>> -> memref<128xi32, #tpu.memory_space<vmem>>
      %dma_start3A_67 = arith.constant 0 : i32
      %dma_start3A_68 = arith.constant 0 : i32
      %dma_start3A_69 = tpu.memref_slice %arg2[%dma_start3A_67, %dma_start3A_68] : memref<50048x32xf32, #tpu.memory_space<hbm>> -> memref<50048x32xf32, #tpu.memory_space<hbm>>
      tpu.enqueue_indirect_dma source(%dma_start3A_69 : memref<50048x32xf32, #tpu.memory_space<hbm>>) target(%dma_start3A_63 : memref<128x32xf32, #tpu.memory_space<vmem>>) offsets(%dma_start3A_66 : memref<128xi32, #tpu.memory_space<vmem>>) semaphore(%arg18 : memref<!tpu.dma_semaphore, #tpu.memory_space<semaphore_mem>>)
      %dma_start3A_70 = arith.constant 2 : i32
      %dma_start3A_71 = arith.constant 256 : i32
      %dma_start3A_72 = arith.constant 0 : i32
      %dma_start3A_73 = tpu.memref_slice %arg16[%dma_start3A_71, %dma_start3A_72] : memref<512x32xf32, #tpu.memory_space<vmem>> -> memref<128x32xf32, #tpu.memory_space<vmem>>
      %dma_start3A_74 = arith.constant 0 : i32
      %dma_start3A_75 = tpu.memref_slice %arg14[%dma_start3A_70, %dma_start3A_74] : memref<4x128xi32, #tpu.memory_space<vmem>> -> memref<1x128xi32, #tpu.memory_space<vmem>>
      %dma_start3A_76 = tpu.memref_squeeze %dma_start3A_75 : memref<1x128xi32, #tpu.memory_space<vmem>> -> memref<128xi32, #tpu.memory_space<vmem>>
      %dma_start3A_77 = arith.constant 0 : i32
      %dma_start3A_78 = arith.constant 0 : i32
      %dma_start3A_79 = tpu.memref_slice %arg3[%dma_start3A_77, %dma_start3A_78] : memref<50000x32xf32, #tpu.memory_space<hbm>> -> memref<50000x32xf32, #tpu.memory_space<hbm>>
      tpu.enqueue_indirect_dma source(%dma_start3A_79 : memref<50000x32xf32, #tpu.memory_space<hbm>>) target(%dma_start3A_73 : memref<128x32xf32, #tpu.memory_space<vmem>>) offsets(%dma_start3A_76 : memref<128xi32, #tpu.memory_space<vmem>>) semaphore(%arg18 : memref<!tpu.dma_semaphore, #tpu.memory_space<semaphore_mem>>)
      %dma_start3A_80 = arith.constant 3 : i32
      %dma_start3A_81 = arith.constant 384 : i32
      %dma_start3A_82 = arith.constant 0 : i32
      %dma_start3A_83 = tpu.memref_slice %arg15[%dma_start3A_81, %dma_start3A_82] : memref<512x32xf32, #tpu.memory_space<vmem>> -> memref<128x32xf32, #tpu.memory_space<vmem>>
      %dma_start3A_84 = arith.constant 0 : i32
      %dma_start3A_85 = tpu.memref_slice %arg13[%dma_start3A_80, %dma_start3A_84] : memref<4x128xi32, #tpu.memory_space<vmem>> -> memref<1x128xi32, #tpu.memory_space<vmem>>
      %dma_start3A_86 = tpu.memref_squeeze %dma_start3A_85 : memref<1x128xi32, #tpu.memory_space<vmem>> -> memref<128xi32, #tpu.memory_space<vmem>>
      %dma_start3A_87 = arith.constant 0 : i32
      %dma_start3A_88 = arith.constant 0 : i32
      %dma_start3A_89 = tpu.memref_slice %arg2[%dma_start3A_87, %dma_start3A_88] : memref<50048x32xf32, #tpu.memory_space<hbm>> -> memref<50048x32xf32, #tpu.memory_space<hbm>>
      tpu.enqueue_indirect_dma source(%dma_start3A_89 : memref<50048x32xf32, #tpu.memory_space<hbm>>) target(%dma_start3A_83 : memref<128x32xf32, #tpu.memory_space<vmem>>) offsets(%dma_start3A_86 : memref<128xi32, #tpu.memory_space<vmem>>) semaphore(%arg18 : memref<!tpu.dma_semaphore, #tpu.memory_space<semaphore_mem>>)
      %dma_start3A_90 = arith.constant 3 : i32
      %dma_start3A_91 = arith.constant 384 : i32
      %dma_start3A_92 = arith.constant 0 : i32
      %dma_start3A_93 = tpu.memref_slice %arg16[%dma_start3A_91, %dma_start3A_92] : memref<512x32xf32, #tpu.memory_space<vmem>> -> memref<128x32xf32, #tpu.memory_space<vmem>>
      %dma_start3A_94 = arith.constant 0 : i32
      %dma_start3A_95 = tpu.memref_slice %arg14[%dma_start3A_90, %dma_start3A_94] : memref<4x128xi32, #tpu.memory_space<vmem>> -> memref<1x128xi32, #tpu.memory_space<vmem>>
      %dma_start3A_96 = tpu.memref_squeeze %dma_start3A_95 : memref<1x128xi32, #tpu.memory_space<vmem>> -> memref<128xi32, #tpu.memory_space<vmem>>
      %dma_start3A_97 = arith.constant 0 : i32
      %dma_start3A_98 = arith.constant 0 : i32
      %dma_start3A_99 = tpu.memref_slice %arg3[%dma_start3A_97, %dma_start3A_98] : memref<50000x32xf32, #tpu.memory_space<hbm>> -> memref<50000x32xf32, #tpu.memory_space<hbm>>
      tpu.enqueue_indirect_dma source(%dma_start3A_99 : memref<50000x32xf32, #tpu.memory_space<hbm>>) target(%dma_start3A_93 : memref<128x32xf32, #tpu.memory_space<vmem>>) offsets(%dma_start3A_96 : memref<128xi32, #tpu.memory_space<vmem>>) semaphore(%arg18 : memref<!tpu.dma_semaphore, #tpu.memory_space<semaphore_mem>>)
      %run_scoped3A = arith.constant 0 : i32
      "tpu.region"() ({
        %run_scoped3A_184 = tpu.sem_alloc : memref<!tpu.dma_semaphore, #tpu.memory_space<semaphore_mem>>
        %dma_start3A_185 = arith.constant 0 : i32
        %dma_start3A_186 = tpu.memref_slice %arg13[%run_scoped3A, %dma_start3A_185] : memref<4x128xi32, #tpu.memory_space<vmem>> -> memref<1x128xi32, #tpu.memory_space<vmem>>
        %dma_start3A_187 = tpu.memref_squeeze %dma_start3A_186 : memref<1x128xi32, #tpu.memory_space<vmem>> -> memref<128xi32, #tpu.memory_space<vmem>>
        %dma_start3A_188 = arith.constant 0 : i32
        %dma_start3A_189 = arith.constant 0 : i32
        %dma_start3A_190 = tpu.memref_slice %arg12[%dma_start3A_188, %dma_start3A_189] : memref<50048x8xf32, #tpu.memory_space<vmem_shared>> -> memref<50048x8xf32, #tpu.memory_space<vmem_shared>>
        tpu.enqueue_indirect_dma source(%arg17 : memref<128x8xf32, #tpu.memory_space<vmem>>) target(%dma_start3A_190 : memref<50048x8xf32, #tpu.memory_space<vmem_shared>>) offsets(%dma_start3A_187 : memref<128xi32, #tpu.memory_space<vmem>>) semaphore(%run_scoped3A_184 : memref<!tpu.dma_semaphore, #tpu.memory_space<semaphore_mem>>) {add = true}
        %dma_wait3A_191 = arith.constant 0 : i32
        %dma_wait3A_192 = tpu.memref_slice %arg13[%run_scoped3A, %dma_wait3A_191] : memref<4x128xi32, #tpu.memory_space<vmem>> -> memref<1x128xi32, #tpu.memory_space<vmem>>
        %dma_wait3A_193 = tpu.memref_squeeze %dma_wait3A_192 : memref<1x128xi32, #tpu.memory_space<vmem>> -> memref<128xi32, #tpu.memory_space<vmem>>
        %dma_wait3A_194 = arith.constant 0 : i32
        %dma_wait3A_195 = arith.constant 0 : i32
        %dma_wait3A_196 = tpu.memref_slice %arg12[%dma_wait3A_194, %dma_wait3A_195] : memref<50048x8xf32, #tpu.memory_space<vmem_shared>> -> memref<50048x8xf32, #tpu.memory_space<vmem_shared>>
        tpu.wait_indirect_dma semaphore(%run_scoped3A_184 : memref<!tpu.dma_semaphore, #tpu.memory_space<semaphore_mem>>) src(%arg17 : memref<128x8xf32, #tpu.memory_space<vmem>>) dst(%dma_wait3A_196 : memref<50048x8xf32, #tpu.memory_space<vmem_shared>>)
        tpu.yield
      }) : () -> ()
      %run_scoped3A_100 = arith.constant 1 : i32
      "tpu.region"() ({
        %run_scoped3A_184 = tpu.sem_alloc : memref<!tpu.dma_semaphore, #tpu.memory_space<semaphore_mem>>
        %dma_start3A_185 = arith.constant 0 : i32
        %dma_start3A_186 = tpu.memref_slice %arg13[%run_scoped3A_100, %dma_start3A_185] : memref<4x128xi32, #tpu.memory_space<vmem>> -> memref<1x128xi32, #tpu.memory_space<vmem>>
        %dma_start3A_187 = tpu.memref_squeeze %dma_start3A_186 : memref<1x128xi32, #tpu.memory_space<vmem>> -> memref<128xi32, #tpu.memory_space<vmem>>
        %dma_start3A_188 = arith.constant 0 : i32
        %dma_start3A_189 = arith.constant 0 : i32
        %dma_start3A_190 = tpu.memref_slice %arg12[%dma_start3A_188, %dma_start3A_189] : memref<50048x8xf32, #tpu.memory_space<vmem_shared>> -> memref<50048x8xf32, #tpu.memory_space<vmem_shared>>
        tpu.enqueue_indirect_dma source(%arg17 : memref<128x8xf32, #tpu.memory_space<vmem>>) target(%dma_start3A_190 : memref<50048x8xf32, #tpu.memory_space<vmem_shared>>) offsets(%dma_start3A_187 : memref<128xi32, #tpu.memory_space<vmem>>) semaphore(%run_scoped3A_184 : memref<!tpu.dma_semaphore, #tpu.memory_space<semaphore_mem>>) {add = true}
        %dma_wait3A_191 = arith.constant 0 : i32
        %dma_wait3A_192 = tpu.memref_slice %arg13[%run_scoped3A_100, %dma_wait3A_191] : memref<4x128xi32, #tpu.memory_space<vmem>> -> memref<1x128xi32, #tpu.memory_space<vmem>>
        %dma_wait3A_193 = tpu.memref_squeeze %dma_wait3A_192 : memref<1x128xi32, #tpu.memory_space<vmem>> -> memref<128xi32, #tpu.memory_space<vmem>>
        %dma_wait3A_194 = arith.constant 0 : i32
        %dma_wait3A_195 = arith.constant 0 : i32
        %dma_wait3A_196 = tpu.memref_slice %arg12[%dma_wait3A_194, %dma_wait3A_195] : memref<50048x8xf32, #tpu.memory_space<vmem_shared>> -> memref<50048x8xf32, #tpu.memory_space<vmem_shared>>
        tpu.wait_indirect_dma semaphore(%run_scoped3A_184 : memref<!tpu.dma_semaphore, #tpu.memory_space<semaphore_mem>>) src(%arg17 : memref<128x8xf32, #tpu.memory_space<vmem>>) dst(%dma_wait3A_196 : memref<50048x8xf32, #tpu.memory_space<vmem_shared>>)
        tpu.yield
      }) : () -> ()
      %run_scoped3A_101 = arith.constant 2 : i32
      "tpu.region"() ({
        %run_scoped3A_184 = tpu.sem_alloc : memref<!tpu.dma_semaphore, #tpu.memory_space<semaphore_mem>>
        %dma_start3A_185 = arith.constant 0 : i32
        %dma_start3A_186 = tpu.memref_slice %arg13[%run_scoped3A_101, %dma_start3A_185] : memref<4x128xi32, #tpu.memory_space<vmem>> -> memref<1x128xi32, #tpu.memory_space<vmem>>
        %dma_start3A_187 = tpu.memref_squeeze %dma_start3A_186 : memref<1x128xi32, #tpu.memory_space<vmem>> -> memref<128xi32, #tpu.memory_space<vmem>>
        %dma_start3A_188 = arith.constant 0 : i32
        %dma_start3A_189 = arith.constant 0 : i32
        %dma_start3A_190 = tpu.memref_slice %arg12[%dma_start3A_188, %dma_start3A_189] : memref<50048x8xf32, #tpu.memory_space<vmem_shared>> -> memref<50048x8xf32, #tpu.memory_space<vmem_shared>>
        tpu.enqueue_indirect_dma source(%arg17 : memref<128x8xf32, #tpu.memory_space<vmem>>) target(%dma_start3A_190 : memref<50048x8xf32, #tpu.memory_space<vmem_shared>>) offsets(%dma_start3A_187 : memref<128xi32, #tpu.memory_space<vmem>>) semaphore(%run_scoped3A_184 : memref<!tpu.dma_semaphore, #tpu.memory_space<semaphore_mem>>) {add = true}
        %dma_wait3A_191 = arith.constant 0 : i32
        %dma_wait3A_192 = tpu.memref_slice %arg13[%run_scoped3A_101, %dma_wait3A_191] : memref<4x128xi32, #tpu.memory_space<vmem>> -> memref<1x128xi32, #tpu.memory_space<vmem>>
        %dma_wait3A_193 = tpu.memref_squeeze %dma_wait3A_192 : memref<1x128xi32, #tpu.memory_space<vmem>> -> memref<128xi32, #tpu.memory_space<vmem>>
        %dma_wait3A_194 = arith.constant 0 : i32
        %dma_wait3A_195 = arith.constant 0 : i32
        %dma_wait3A_196 = tpu.memref_slice %arg12[%dma_wait3A_194, %dma_wait3A_195] : memref<50048x8xf32, #tpu.memory_space<vmem_shared>> -> memref<50048x8xf32, #tpu.memory_space<vmem_shared>>
        tpu.wait_indirect_dma semaphore(%run_scoped3A_184 : memref<!tpu.dma_semaphore, #tpu.memory_space<semaphore_mem>>) src(%arg17 : memref<128x8xf32, #tpu.memory_space<vmem>>) dst(%dma_wait3A_196 : memref<50048x8xf32, #tpu.memory_space<vmem_shared>>)
        tpu.yield
      }) : () -> ()
      %run_scoped3A_102 = arith.constant 3 : i32
      "tpu.region"() ({
        %run_scoped3A_184 = tpu.sem_alloc : memref<!tpu.dma_semaphore, #tpu.memory_space<semaphore_mem>>
        %dma_start3A_185 = arith.constant 0 : i32
        %dma_start3A_186 = tpu.memref_slice %arg13[%run_scoped3A_102, %dma_start3A_185] : memref<4x128xi32, #tpu.memory_space<vmem>> -> memref<1x128xi32, #tpu.memory_space<vmem>>
        %dma_start3A_187 = tpu.memref_squeeze %dma_start3A_186 : memref<1x128xi32, #tpu.memory_space<vmem>> -> memref<128xi32, #tpu.memory_space<vmem>>
        %dma_start3A_188 = arith.constant 0 : i32
        %dma_start3A_189 = arith.constant 0 : i32
        %dma_start3A_190 = tpu.memref_slice %arg12[%dma_start3A_188, %dma_start3A_189] : memref<50048x8xf32, #tpu.memory_space<vmem_shared>> -> memref<50048x8xf32, #tpu.memory_space<vmem_shared>>
        tpu.enqueue_indirect_dma source(%arg17 : memref<128x8xf32, #tpu.memory_space<vmem>>) target(%dma_start3A_190 : memref<50048x8xf32, #tpu.memory_space<vmem_shared>>) offsets(%dma_start3A_187 : memref<128xi32, #tpu.memory_space<vmem>>) semaphore(%run_scoped3A_184 : memref<!tpu.dma_semaphore, #tpu.memory_space<semaphore_mem>>) {add = true}
        %dma_wait3A_191 = arith.constant 0 : i32
        %dma_wait3A_192 = tpu.memref_slice %arg13[%run_scoped3A_102, %dma_wait3A_191] : memref<4x128xi32, #tpu.memory_space<vmem>> -> memref<1x128xi32, #tpu.memory_space<vmem>>
        %dma_wait3A_193 = tpu.memref_squeeze %dma_wait3A_192 : memref<1x128xi32, #tpu.memory_space<vmem>> -> memref<128xi32, #tpu.memory_space<vmem>>
        %dma_wait3A_194 = arith.constant 0 : i32
        %dma_wait3A_195 = arith.constant 0 : i32
        %dma_wait3A_196 = tpu.memref_slice %arg12[%dma_wait3A_194, %dma_wait3A_195] : memref<50048x8xf32, #tpu.memory_space<vmem_shared>> -> memref<50048x8xf32, #tpu.memory_space<vmem_shared>>
        tpu.wait_indirect_dma semaphore(%run_scoped3A_184 : memref<!tpu.dma_semaphore, #tpu.memory_space<semaphore_mem>>) src(%arg17 : memref<128x8xf32, #tpu.memory_space<vmem>>) dst(%dma_wait3A_196 : memref<50048x8xf32, #tpu.memory_space<vmem_shared>>)
        tpu.yield
      }) : () -> ()
      %dma_wait3A = arith.constant 0 : i32
      %dma_wait3A_103 = arith.constant 0 : i32
      %dma_wait3A_104 = arith.constant 0 : i32
      %dma_wait3A_105 = tpu.memref_slice %arg15[%dma_wait3A_103, %dma_wait3A_104] : memref<512x32xf32, #tpu.memory_space<vmem>> -> memref<128x32xf32, #tpu.memory_space<vmem>>
      %dma_wait3A_106 = arith.constant 0 : i32
      %dma_wait3A_107 = tpu.memref_slice %arg13[%dma_wait3A, %dma_wait3A_106] : memref<4x128xi32, #tpu.memory_space<vmem>> -> memref<1x128xi32, #tpu.memory_space<vmem>>
      %dma_wait3A_108 = tpu.memref_squeeze %dma_wait3A_107 : memref<1x128xi32, #tpu.memory_space<vmem>> -> memref<128xi32, #tpu.memory_space<vmem>>
      %dma_wait3A_109 = arith.constant 0 : i32
      %dma_wait3A_110 = arith.constant 0 : i32
      %dma_wait3A_111 = tpu.memref_slice %arg2[%dma_wait3A_109, %dma_wait3A_110] : memref<50048x32xf32, #tpu.memory_space<hbm>> -> memref<50048x32xf32, #tpu.memory_space<hbm>>
      tpu.wait_indirect_dma semaphore(%arg18 : memref<!tpu.dma_semaphore, #tpu.memory_space<semaphore_mem>>) src(%dma_wait3A_111 : memref<50048x32xf32, #tpu.memory_space<hbm>>) dst(%dma_wait3A_105 : memref<128x32xf32, #tpu.memory_space<vmem>>)
      %dma_wait3A_112 = arith.constant 0 : i32
      %dma_wait3A_113 = arith.constant 0 : i32
      %dma_wait3A_114 = arith.constant 0 : i32
      %dma_wait3A_115 = tpu.memref_slice %arg16[%dma_wait3A_113, %dma_wait3A_114] : memref<512x32xf32, #tpu.memory_space<vmem>> -> memref<128x32xf32, #tpu.memory_space<vmem>>
      %dma_wait3A_116 = arith.constant 0 : i32
      %dma_wait3A_117 = tpu.memref_slice %arg14[%dma_wait3A_112, %dma_wait3A_116] : memref<4x128xi32, #tpu.memory_space<vmem>> -> memref<1x128xi32, #tpu.memory_space<vmem>>
      %dma_wait3A_118 = tpu.memref_squeeze %dma_wait3A_117 : memref<1x128xi32, #tpu.memory_space<vmem>> -> memref<128xi32, #tpu.memory_space<vmem>>
      %dma_wait3A_119 = arith.constant 0 : i32
      %dma_wait3A_120 = arith.constant 0 : i32
      %dma_wait3A_121 = tpu.memref_slice %arg3[%dma_wait3A_119, %dma_wait3A_120] : memref<50000x32xf32, #tpu.memory_space<hbm>> -> memref<50000x32xf32, #tpu.memory_space<hbm>>
      tpu.wait_indirect_dma semaphore(%arg18 : memref<!tpu.dma_semaphore, #tpu.memory_space<semaphore_mem>>) src(%dma_wait3A_121 : memref<50000x32xf32, #tpu.memory_space<hbm>>) dst(%dma_wait3A_115 : memref<128x32xf32, #tpu.memory_space<vmem>>)
      %dma_wait3A_122 = arith.constant 1 : i32
      %dma_wait3A_123 = arith.constant 128 : i32
      %dma_wait3A_124 = arith.constant 0 : i32
      %dma_wait3A_125 = tpu.memref_slice %arg15[%dma_wait3A_123, %dma_wait3A_124] : memref<512x32xf32, #tpu.memory_space<vmem>> -> memref<128x32xf32, #tpu.memory_space<vmem>>
      %dma_wait3A_126 = arith.constant 0 : i32
      %dma_wait3A_127 = tpu.memref_slice %arg13[%dma_wait3A_122, %dma_wait3A_126] : memref<4x128xi32, #tpu.memory_space<vmem>> -> memref<1x128xi32, #tpu.memory_space<vmem>>
      %dma_wait3A_128 = tpu.memref_squeeze %dma_wait3A_127 : memref<1x128xi32, #tpu.memory_space<vmem>> -> memref<128xi32, #tpu.memory_space<vmem>>
      %dma_wait3A_129 = arith.constant 0 : i32
      %dma_wait3A_130 = arith.constant 0 : i32
      %dma_wait3A_131 = tpu.memref_slice %arg2[%dma_wait3A_129, %dma_wait3A_130] : memref<50048x32xf32, #tpu.memory_space<hbm>> -> memref<50048x32xf32, #tpu.memory_space<hbm>>
      tpu.wait_indirect_dma semaphore(%arg18 : memref<!tpu.dma_semaphore, #tpu.memory_space<semaphore_mem>>) src(%dma_wait3A_131 : memref<50048x32xf32, #tpu.memory_space<hbm>>) dst(%dma_wait3A_125 : memref<128x32xf32, #tpu.memory_space<vmem>>)
      %dma_wait3A_132 = arith.constant 1 : i32
      %dma_wait3A_133 = arith.constant 128 : i32
      %dma_wait3A_134 = arith.constant 0 : i32
      %dma_wait3A_135 = tpu.memref_slice %arg16[%dma_wait3A_133, %dma_wait3A_134] : memref<512x32xf32, #tpu.memory_space<vmem>> -> memref<128x32xf32, #tpu.memory_space<vmem>>
      %dma_wait3A_136 = arith.constant 0 : i32
      %dma_wait3A_137 = tpu.memref_slice %arg14[%dma_wait3A_132, %dma_wait3A_136] : memref<4x128xi32, #tpu.memory_space<vmem>> -> memref<1x128xi32, #tpu.memory_space<vmem>>
      %dma_wait3A_138 = tpu.memref_squeeze %dma_wait3A_137 : memref<1x128xi32, #tpu.memory_space<vmem>> -> memref<128xi32, #tpu.memory_space<vmem>>
      %dma_wait3A_139 = arith.constant 0 : i32
      %dma_wait3A_140 = arith.constant 0 : i32
      %dma_wait3A_141 = tpu.memref_slice %arg3[%dma_wait3A_139, %dma_wait3A_140] : memref<50000x32xf32, #tpu.memory_space<hbm>> -> memref<50000x32xf32, #tpu.memory_space<hbm>>
      tpu.wait_indirect_dma semaphore(%arg18 : memref<!tpu.dma_semaphore, #tpu.memory_space<semaphore_mem>>) src(%dma_wait3A_141 : memref<50000x32xf32, #tpu.memory_space<hbm>>) dst(%dma_wait3A_135 : memref<128x32xf32, #tpu.memory_space<vmem>>)
      %dma_wait3A_142 = arith.constant 2 : i32
      %dma_wait3A_143 = arith.constant 256 : i32
      %dma_wait3A_144 = arith.constant 0 : i32
      %dma_wait3A_145 = tpu.memref_slice %arg15[%dma_wait3A_143, %dma_wait3A_144] : memref<512x32xf32, #tpu.memory_space<vmem>> -> memref<128x32xf32, #tpu.memory_space<vmem>>
      %dma_wait3A_146 = arith.constant 0 : i32
      %dma_wait3A_147 = tpu.memref_slice %arg13[%dma_wait3A_142, %dma_wait3A_146] : memref<4x128xi32, #tpu.memory_space<vmem>> -> memref<1x128xi32, #tpu.memory_space<vmem>>
      %dma_wait3A_148 = tpu.memref_squeeze %dma_wait3A_147 : memref<1x128xi32, #tpu.memory_space<vmem>> -> memref<128xi32, #tpu.memory_space<vmem>>
      %dma_wait3A_149 = arith.constant 0 : i32
      %dma_wait3A_150 = arith.constant 0 : i32
      %dma_wait3A_151 = tpu.memref_slice %arg2[%dma_wait3A_149, %dma_wait3A_150] : memref<50048x32xf32, #tpu.memory_space<hbm>> -> memref<50048x32xf32, #tpu.memory_space<hbm>>
      tpu.wait_indirect_dma semaphore(%arg18 : memref<!tpu.dma_semaphore, #tpu.memory_space<semaphore_mem>>) src(%dma_wait3A_151 : memref<50048x32xf32, #tpu.memory_space<hbm>>) dst(%dma_wait3A_145 : memref<128x32xf32, #tpu.memory_space<vmem>>)
      %dma_wait3A_152 = arith.constant 2 : i32
      %dma_wait3A_153 = arith.constant 256 : i32
      %dma_wait3A_154 = arith.constant 0 : i32
      %dma_wait3A_155 = tpu.memref_slice %arg16[%dma_wait3A_153, %dma_wait3A_154] : memref<512x32xf32, #tpu.memory_space<vmem>> -> memref<128x32xf32, #tpu.memory_space<vmem>>
      %dma_wait3A_156 = arith.constant 0 : i32
      %dma_wait3A_157 = tpu.memref_slice %arg14[%dma_wait3A_152, %dma_wait3A_156] : memref<4x128xi32, #tpu.memory_space<vmem>> -> memref<1x128xi32, #tpu.memory_space<vmem>>
      %dma_wait3A_158 = tpu.memref_squeeze %dma_wait3A_157 : memref<1x128xi32, #tpu.memory_space<vmem>> -> memref<128xi32, #tpu.memory_space<vmem>>
      %dma_wait3A_159 = arith.constant 0 : i32
      %dma_wait3A_160 = arith.constant 0 : i32
      %dma_wait3A_161 = tpu.memref_slice %arg3[%dma_wait3A_159, %dma_wait3A_160] : memref<50000x32xf32, #tpu.memory_space<hbm>> -> memref<50000x32xf32, #tpu.memory_space<hbm>>
      tpu.wait_indirect_dma semaphore(%arg18 : memref<!tpu.dma_semaphore, #tpu.memory_space<semaphore_mem>>) src(%dma_wait3A_161 : memref<50000x32xf32, #tpu.memory_space<hbm>>) dst(%dma_wait3A_155 : memref<128x32xf32, #tpu.memory_space<vmem>>)
      %dma_wait3A_162 = arith.constant 3 : i32
      %dma_wait3A_163 = arith.constant 384 : i32
      %dma_wait3A_164 = arith.constant 0 : i32
      %dma_wait3A_165 = tpu.memref_slice %arg15[%dma_wait3A_163, %dma_wait3A_164] : memref<512x32xf32, #tpu.memory_space<vmem>> -> memref<128x32xf32, #tpu.memory_space<vmem>>
      %dma_wait3A_166 = arith.constant 0 : i32
      %dma_wait3A_167 = tpu.memref_slice %arg13[%dma_wait3A_162, %dma_wait3A_166] : memref<4x128xi32, #tpu.memory_space<vmem>> -> memref<1x128xi32, #tpu.memory_space<vmem>>
      %dma_wait3A_168 = tpu.memref_squeeze %dma_wait3A_167 : memref<1x128xi32, #tpu.memory_space<vmem>> -> memref<128xi32, #tpu.memory_space<vmem>>
      %dma_wait3A_169 = arith.constant 0 : i32
      %dma_wait3A_170 = arith.constant 0 : i32
      %dma_wait3A_171 = tpu.memref_slice %arg2[%dma_wait3A_169, %dma_wait3A_170] : memref<50048x32xf32, #tpu.memory_space<hbm>> -> memref<50048x32xf32, #tpu.memory_space<hbm>>
      tpu.wait_indirect_dma semaphore(%arg18 : memref<!tpu.dma_semaphore, #tpu.memory_space<semaphore_mem>>) src(%dma_wait3A_171 : memref<50048x32xf32, #tpu.memory_space<hbm>>) dst(%dma_wait3A_165 : memref<128x32xf32, #tpu.memory_space<vmem>>)
      %dma_wait3A_172 = arith.constant 3 : i32
      %dma_wait3A_173 = arith.constant 384 : i32
      %dma_wait3A_174 = arith.constant 0 : i32
      %dma_wait3A_175 = tpu.memref_slice %arg16[%dma_wait3A_173, %dma_wait3A_174] : memref<512x32xf32, #tpu.memory_space<vmem>> -> memref<128x32xf32, #tpu.memory_space<vmem>>
      %dma_wait3A_176 = arith.constant 0 : i32
      %dma_wait3A_177 = tpu.memref_slice %arg14[%dma_wait3A_172, %dma_wait3A_176] : memref<4x128xi32, #tpu.memory_space<vmem>> -> memref<1x128xi32, #tpu.memory_space<vmem>>
      %dma_wait3A_178 = tpu.memref_squeeze %dma_wait3A_177 : memref<1x128xi32, #tpu.memory_space<vmem>> -> memref<128xi32, #tpu.memory_space<vmem>>
      %dma_wait3A_179 = arith.constant 0 : i32
      %dma_wait3A_180 = arith.constant 0 : i32
      %dma_wait3A_181 = tpu.memref_slice %arg3[%dma_wait3A_179, %dma_wait3A_180] : memref<50000x32xf32, #tpu.memory_space<hbm>> -> memref<50000x32xf32, #tpu.memory_space<hbm>>
      tpu.wait_indirect_dma semaphore(%arg18 : memref<!tpu.dma_semaphore, #tpu.memory_space<semaphore_mem>>) src(%dma_wait3A_181 : memref<50000x32xf32, #tpu.memory_space<hbm>>) dst(%dma_wait3A_175 : memref<128x32xf32, #tpu.memory_space<vmem>>)
      %mul3A_182 = arith.constant 128 : i32
      %mul3A_183 = arith.muli %add3A_20, %mul3A_182 : i32
      "tpu.region"() ({
        %run_scoped3A_184 = tpu.sem_alloc : memref<!tpu.dma_semaphore, #tpu.memory_space<semaphore_mem>>
        %dma_start3A_185 = arith.constant 0 : i32
        %dma_start3A_186 = tpu.memref_slice %arg8[%mul3A_183, %dma_start3A_185] : memref<802816x32xf32, #tpu.memory_space<hbm>> -> memref<512x32xf32, #tpu.memory_space<hbm>>
        %dma_start3A_187 = arith.constant 0 : i32
        %dma_start3A_188 = tpu.memref_slice %arg8[%mul3A_183, %dma_start3A_187] : memref<802816x32xf32, #tpu.memory_space<hbm>> -> memref<512x32xf32, #tpu.memory_space<hbm>>
        tpu.enqueue_dma source(%arg15 : memref<512x32xf32, #tpu.memory_space<vmem>>) target(%dma_start3A_188 : memref<512x32xf32, #tpu.memory_space<hbm>>) target_semaphore(%run_scoped3A_184 : memref<!tpu.dma_semaphore, #tpu.memory_space<semaphore_mem>>)
        %dma_wait3A_189 = arith.constant 0 : i32
        %dma_wait3A_190 = tpu.memref_slice %arg8[%mul3A_183, %dma_wait3A_189] : memref<802816x32xf32, #tpu.memory_space<hbm>> -> memref<512x32xf32, #tpu.memory_space<hbm>>
        %dma_wait3A_191 = arith.constant 0 : i32
        %dma_wait3A_192 = tpu.memref_slice %arg8[%mul3A_183, %dma_wait3A_191] : memref<802816x32xf32, #tpu.memory_space<hbm>> -> memref<512x32xf32, #tpu.memory_space<hbm>>
        tpu.wait_dma2 semaphore(%run_scoped3A_184 : memref<!tpu.dma_semaphore, #tpu.memory_space<semaphore_mem>>) src(%arg15 : memref<512x32xf32, #tpu.memory_space<vmem>>) dst(%dma_wait3A_192 : memref<512x32xf32, #tpu.memory_space<hbm>>)
        tpu.yield
      }) : () -> ()
      "tpu.region"() ({
        %run_scoped3A_184 = tpu.sem_alloc : memref<!tpu.dma_semaphore, #tpu.memory_space<semaphore_mem>>
        %dma_start3A_185 = arith.constant 0 : i32
        %dma_start3A_186 = tpu.memref_slice %arg9[%mul3A_183, %dma_start3A_185] : memref<802816x32xf32, #tpu.memory_space<hbm>> -> memref<512x32xf32, #tpu.memory_space<hbm>>
        %dma_start3A_187 = arith.constant 0 : i32
        %dma_start3A_188 = tpu.memref_slice %arg9[%mul3A_183, %dma_start3A_187] : memref<802816x32xf32, #tpu.memory_space<hbm>> -> memref<512x32xf32, #tpu.memory_space<hbm>>
        tpu.enqueue_dma source(%arg16 : memref<512x32xf32, #tpu.memory_space<vmem>>) target(%dma_start3A_188 : memref<512x32xf32, #tpu.memory_space<hbm>>) target_semaphore(%run_scoped3A_184 : memref<!tpu.dma_semaphore, #tpu.memory_space<semaphore_mem>>)
        %dma_wait3A_189 = arith.constant 0 : i32
        %dma_wait3A_190 = tpu.memref_slice %arg9[%mul3A_183, %dma_wait3A_189] : memref<802816x32xf32, #tpu.memory_space<hbm>> -> memref<512x32xf32, #tpu.memory_space<hbm>>
        %dma_wait3A_191 = arith.constant 0 : i32
        %dma_wait3A_192 = tpu.memref_slice %arg9[%mul3A_183, %dma_wait3A_191] : memref<802816x32xf32, #tpu.memory_space<hbm>> -> memref<512x32xf32, #tpu.memory_space<hbm>>
        tpu.wait_dma2 semaphore(%run_scoped3A_184 : memref<!tpu.dma_semaphore, #tpu.memory_space<semaphore_mem>>) src(%arg16 : memref<512x32xf32, #tpu.memory_space<vmem>>) dst(%dma_wait3A_192 : memref<512x32xf32, #tpu.memory_space<hbm>>)
        tpu.yield
      }) : () -> ()
    }
    %scan3A_6 = arith.constant 49 : i32
    %barrier3A_7 = arith.constant 0 : index
    tpu.barrier barrier_id(%barrier3A_7)
    %eq3A = arith.constant 0 : i32
    %eq3A_8 = arith.cmpi eq, %arg0, %eq3A : i32
    %convert_element_type3A = arith.extui %eq3A_8 : i1 to i32
    %cond3A = arith.constant 0 : i32
    %cond3A_9 = arith.cmpi ne, %convert_element_type3A, %cond3A : i32
    scf.if %cond3A_9 {
      "tpu.region"() ({
        %run_scoped3A = tpu.sem_alloc : memref<!tpu.dma_semaphore, #tpu.memory_space<semaphore_mem>>
        %dma_start3A = arith.constant 0 : i32
        %dma_start3A_15 = tpu.memref_slice %arg10[%mul3A_2, %dma_start3A] : memref<50048x8xf32, #tpu.memory_space<hbm>> -> memref<3128x8xf32, #tpu.memory_space<hbm>>
        %dma_start3A_16 = arith.constant 0 : i32
        %dma_start3A_17 = tpu.memref_slice %arg12[%mul3A_2, %dma_start3A_16] : memref<50048x8xf32, #tpu.memory_space<vmem_shared>> -> memref<3128x8xf32, #tpu.memory_space<vmem_shared>>
        tpu.enqueue_dma source(%dma_start3A_17 : memref<3128x8xf32, #tpu.memory_space<vmem_shared>>) target(%dma_start3A_15 : memref<3128x8xf32, #tpu.memory_space<hbm>>) target_semaphore(%run_scoped3A : memref<!tpu.dma_semaphore, #tpu.memory_space<semaphore_mem>>)
        %dma_wait3A = arith.constant 0 : i32
        %dma_wait3A_18 = tpu.memref_slice %arg10[%mul3A_2, %dma_wait3A] : memref<50048x8xf32, #tpu.memory_space<hbm>> -> memref<3128x8xf32, #tpu.memory_space<hbm>>
        %dma_wait3A_19 = arith.constant 0 : i32
        %dma_wait3A_20 = tpu.memref_slice %arg12[%mul3A_2, %dma_wait3A_19] : memref<50048x8xf32, #tpu.memory_space<vmem_shared>> -> memref<3128x8xf32, #tpu.memory_space<vmem_shared>>
        tpu.wait_dma2 semaphore(%run_scoped3A : memref<!tpu.dma_semaphore, #tpu.memory_space<semaphore_mem>>) src(%dma_wait3A_20 : memref<3128x8xf32, #tpu.memory_space<vmem_shared>>) dst(%dma_wait3A_18 : memref<3128x8xf32, #tpu.memory_space<hbm>>)
        tpu.yield
      }) : () -> ()
    } else {
    }
    %eq3A_10 = arith.constant 1 : i32
    %eq3A_11 = arith.cmpi eq, %arg0, %eq3A_10 : i32
    %convert_element_type3A_12 = arith.extui %eq3A_11 : i1 to i32
    %cond3A_13 = arith.constant 0 : i32
    %cond3A_14 = arith.cmpi ne, %convert_element_type3A_12, %cond3A_13 : i32
    scf.if %cond3A_14 {
      "tpu.region"() ({
        %run_scoped3A = tpu.sem_alloc : memref<!tpu.dma_semaphore, #tpu.memory_space<semaphore_mem>>
        %dma_start3A = arith.constant 0 : i32
        %dma_start3A_15 = tpu.memref_slice %arg11[%mul3A_2, %dma_start3A] : memref<50048x8xf32, #tpu.memory_space<hbm>> -> memref<3128x8xf32, #tpu.memory_space<hbm>>
        %dma_start3A_16 = arith.constant 0 : i32
        %dma_start3A_17 = tpu.memref_slice %arg12[%mul3A_2, %dma_start3A_16] : memref<50048x8xf32, #tpu.memory_space<vmem_shared>> -> memref<3128x8xf32, #tpu.memory_space<vmem_shared>>
        tpu.enqueue_dma source(%dma_start3A_17 : memref<3128x8xf32, #tpu.memory_space<vmem_shared>>) target(%dma_start3A_15 : memref<3128x8xf32, #tpu.memory_space<hbm>>) target_semaphore(%run_scoped3A : memref<!tpu.dma_semaphore, #tpu.memory_space<semaphore_mem>>)
        %dma_wait3A = arith.constant 0 : i32
        %dma_wait3A_18 = tpu.memref_slice %arg11[%mul3A_2, %dma_wait3A] : memref<50048x8xf32, #tpu.memory_space<hbm>> -> memref<3128x8xf32, #tpu.memory_space<hbm>>
        %dma_wait3A_19 = arith.constant 0 : i32
        %dma_wait3A_20 = tpu.memref_slice %arg12[%mul3A_2, %dma_wait3A_19] : memref<50048x8xf32, #tpu.memory_space<vmem_shared>> -> memref<3128x8xf32, #tpu.memory_space<vmem_shared>>
        tpu.wait_dma2 semaphore(%run_scoped3A : memref<!tpu.dma_semaphore, #tpu.memory_space<semaphore_mem>>) src(%dma_wait3A_20 : memref<3128x8xf32, #tpu.memory_space<vmem_shared>>) dst(%dma_wait3A_18 : memref<3128x8xf32, #tpu.memory_space<hbm>>)
        tpu.yield
      }) : () -> ()
    } else {
    }
    return
  }
}

module attributes {stable_mosaic.version = 14 : i64} {
  func.func @_prep_body(%arg0: i32, %arg1: memref<1000x32xf32, #tpu.memory_space<vmem>>, %arg2: memref<1000x1xi32, #tpu.memory_space<vmem>>, %arg3: memref<64x32xf32, #tpu.memory_space<vmem>>, %arg4: memref<32x32xf32, #tpu.memory_space<vmem>>, %arg5: memref<32x32xf32, #tpu.memory_space<vmem>>, %arg6: memref<1000x32xf32, #tpu.memory_space<vmem>>, %arg7: memref<1000x32xf32, #tpu.memory_space<vmem>>) attributes {dimension_semantics = [#tpu.dimension_semantics<arbitrary>], iteration_bounds = array<i64: 50>, scalar_prefetch = 0 : i64, scratch_operands = 0 : i64, tpu.core_type = #tpu.core_type<tc>, window_params = [{transform_indices = @transform_0, window_bounds = array<i64: 1000, 32>}, {transform_indices = @transform_1, window_bounds = array<i64: 1000, 1>}, {pipeline_mode = #tpu.pipeline_mode<synchronous>, transform_indices = @transform_2, window_bounds = array<i64: 64, 32>}, {pipeline_mode = #tpu.pipeline_mode<synchronous>, transform_indices = @transform_3, window_bounds = array<i64: 32, 32>}, {pipeline_mode = #tpu.pipeline_mode<synchronous>, transform_indices = @transform_4, window_bounds = array<i64: 32, 32>}, {transform_indices = @transform_5, window_bounds = array<i64: 1000, 32>}, {transform_indices = @transform_6, window_bounds = array<i64: 1000, 32>}]} {
    %get3A = arith.constant 0 : index
    %get3A_0 = arith.constant 0 : index
    %get3A_1 = vector.load %arg2[%get3A, %get3A_0] : memref<1000x1xi32, #tpu.memory_space<vmem>>, vector<1000x1xi32>
    %iota3A = tpu.iota {dimensions = array<i32: 1>} : vector<1000x64xi32>
    %eq3A = vector.broadcast %get3A_1 : vector<1000x1xi32> to vector<1000x64xi32>
    %eq3A_2 = arith.cmpi eq, %eq3A, %iota3A : vector<1000x64xi32>
    %convert_element_type3A = arith.extui %eq3A_2 : vector<1000x64xi1> to vector<1000x64xi32>
    %convert_element_type3A_3 = arith.sitofp %convert_element_type3A : vector<1000x64xi32> to vector<1000x64xf32>
    %get3A_4 = arith.constant 0 : index
    %get3A_5 = arith.constant 0 : index
    %get3A_6 = vector.load %arg3[%get3A_4, %get3A_5] : memref<64x32xf32, #tpu.memory_space<vmem>>, vector<64x32xf32>
    %dot_general3A = arith.constant dense<0.000000e+00> : vector<1000x32xf32>
    %dot_general3A_7 = tpu.matmul %convert_element_type3A_3, %get3A_6, %dot_general3A {dimension_numbers = #tpu.dot_dimension_numbers<[1], [0], [0], [1], [0, 0, 1, 1], [], []>, transpose_lhs_hint = false} : vector<1000x64xf32>, vector<64x32xf32>, vector<1000x32xf32> -> vector<1000x32xf32>
    %swap3A = arith.constant 0 : index
    %swap3A_8 = arith.constant 0 : index
    %swap3A_9 = vector.load %arg7[%swap3A, %swap3A_8] : memref<1000x32xf32, #tpu.memory_space<vmem>>, vector<1000x32xf32>
    tpu.vector_store %arg7[%swap3A, %swap3A_8], %dot_general3A_7 {strides = array<i32>} : memref<1000x32xf32, #tpu.memory_space<vmem>>, vector<1000x32xf32>,
    %get3A_10 = arith.constant 0 : index
    %get3A_11 = arith.constant 0 : index
    %get3A_12 = vector.load %arg1[%get3A_10, %get3A_11] : memref<1000x32xf32, #tpu.memory_space<vmem>>, vector<1000x32xf32>
    %get3A_13 = arith.constant 0 : index
    %get3A_14 = arith.constant 0 : index
    %get3A_15 = vector.load %arg4[%get3A_13, %get3A_14] : memref<32x32xf32, #tpu.memory_space<vmem>>, vector<32x32xf32>
    %dot_general3A_16 = arith.constant dense<0.000000e+00> : vector<1000x32xf32>
    %dot_general3A_17 = tpu.matmul %get3A_12, %get3A_15, %dot_general3A_16 {dimension_numbers = #tpu.dot_dimension_numbers<[1], [0], [0], [1], [0, 0, 1, 1], [], []>, transpose_lhs_hint = false} : vector<1000x32xf32>, vector<32x32xf32>, vector<1000x32xf32> -> vector<1000x32xf32>
    %get3A_18 = arith.constant 0 : index
    %get3A_19 = arith.constant 0 : index
    %get3A_20 = vector.load %arg5[%get3A_18, %get3A_19] : memref<32x32xf32, #tpu.memory_space<vmem>>, vector<32x32xf32>
    %dot_general3A_21 = arith.constant dense<0.000000e+00> : vector<1000x32xf32>
    %dot_general3A_22 = tpu.matmul %dot_general3A_7, %get3A_20, %dot_general3A_21 {dimension_numbers = #tpu.dot_dimension_numbers<[1], [0], [0], [1], [0, 0, 1, 1], [], []>, transpose_lhs_hint = false} : vector<1000x32xf32>, vector<32x32xf32>, vector<1000x32xf32> -> vector<1000x32xf32>
    %add3A = arith.addf %dot_general3A_17, %dot_general3A_22 : vector<1000x32xf32>
    %swap3A_23 = arith.constant 0 : index
    %swap3A_24 = arith.constant 0 : index
    %swap3A_25 = vector.load %arg6[%swap3A_23, %swap3A_24] : memref<1000x32xf32, #tpu.memory_space<vmem>>, vector<1000x32xf32>
    tpu.vector_store %arg6[%swap3A_23, %swap3A_24], %add3A {strides = array<i32>} : memref<1000x32xf32, #tpu.memory_space<vmem>>, vector<1000x32xf32>,
    return
  }
  func.func @transform_0(%arg0: i32) -> (i32, i32) {
    %c0_i32 = arith.constant 0 : i32
    %c0_i32_0 = arith.constant 0 : i32
    return %arg0, %c0_i32 : i32, i32
  }
  func.func @transform_1(%arg0: i32) -> (i32, i32) {
    %c0_i32 = arith.constant 0 : i32
    %c0_i32_0 = arith.constant 0 : i32
    return %arg0, %c0_i32 : i32, i32
  }
  func.func @transform_2(%arg0: i32) -> (i32, i32) {
    %c0_i32 = arith.constant 0 : i32
    %c0_i32_0 = arith.constant 0 : i32
    %c0_i32_1 = arith.constant 0 : i32
    return %c0_i32, %c0_i32_0 : i32, i32
  }
  func.func @transform_3(%arg0: i32) -> (i32, i32) {
    %c0_i32 = arith.constant 0 : i32
    %c0_i32_0 = arith.constant 0 : i32
    %c0_i32_1 = arith.constant 0 : i32
    return %c0_i32, %c0_i32_0 : i32, i32
  }
  func.func @transform_4(%arg0: i32) -> (i32, i32) {
    %c0_i32 = arith.constant 0 : i32
    %c0_i32_0 = arith.constant 0 : i32
    %c0_i32_1 = arith.constant 0 : i32
    return %c0_i32, %c0_i32_0 : i32, i32
  }
  func.func @transform_5(%arg0: i32) -> (i32, i32) {
    %c0_i32 = arith.constant 0 : i32
    %c0_i32_0 = arith.constant 0 : i32
    return %arg0, %c0_i32 : i32, i32
  }
  func.func @transform_6(%arg0: i32) -> (i32, i32) {
    %c0_i32 = arith.constant 0 : i32
    %c0_i32_0 = arith.constant 0 : i32
    return %arg0, %c0_i32 : i32, i32
  }
}

module attributes {stable_mosaic.version = 14 : i64} {
  func.func @_edge_body(%arg0: i32, %arg1: memref<4000x128xf32, #tpu.memory_space<vmem>>, %arg2: memref<4000x128xf32, #tpu.memory_space<vmem>>, %arg3: memref<4000x128xf32, #tpu.memory_space<vmem>>, %arg4: memref<128x128xf32, #tpu.memory_space<vmem>>, %arg5: memref<128x128xf32, #tpu.memory_space<vmem>>, %arg6: memref<1x128xf32, #tpu.memory_space<vmem>>, %arg7: memref<128x128xf32, #tpu.memory_space<vmem>>, %arg8: memref<1x128xf32, #tpu.memory_space<vmem>>, %arg9: memref<1x128xf32, #tpu.memory_space<vmem>>, %arg10: memref<1x128xf32, #tpu.memory_space<vmem>>, %arg11: memref<128x128xf32, #tpu.memory_space<vmem>>, %arg12: memref<128x128xf32, #tpu.memory_space<vmem>>, %arg13: memref<1x128xf32, #tpu.memory_space<vmem>>, %arg14: memref<128x128xf32, #tpu.memory_space<vmem>>, %arg15: memref<1x128xf32, #tpu.memory_space<vmem>>, %arg16: memref<1x128xf32, #tpu.memory_space<vmem>>, %arg17: memref<1x128xf32, #tpu.memory_space<vmem>>, %arg18: memref<128x128xf32, #tpu.memory_space<vmem>>, %arg19: memref<4000x128xf32, #tpu.memory_space<vmem>>, %arg20: memref<4000x128xf32, #tpu.memory_space<vmem>>) attributes {dimension_semantics = [#tpu.dimension_semantics<arbitrary>], iteration_bounds = array<i64: 50>, scalar_prefetch = 0 : i64, scratch_operands = 0 : i64, tpu.core_type = #tpu.core_type<tc>, window_params = [{transform_indices = @transform_0, window_bounds = array<i64: 4000, 128>}, {transform_indices = @transform_1, window_bounds = array<i64: 4000, 128>}, {transform_indices = @transform_2, window_bounds = array<i64: 4000, 128>}, {pipeline_mode = #tpu.pipeline_mode<synchronous>, transform_indices = @transform_3, window_bounds = array<i64: 128, 128>}, {pipeline_mode = #tpu.pipeline_mode<synchronous>, transform_indices = @transform_4, window_bounds = array<i64: 128, 128>}, {pipeline_mode = #tpu.pipeline_mode<synchronous>, transform_indices = @transform_5, window_bounds = array<i64: 1, 128>}, {pipeline_mode = #tpu.pipeline_mode<synchronous>, transform_indices = @transform_6, window_bounds = array<i64: 128, 128>}, {pipeline_mode = #tpu.pipeline_mode<synchronous>, transform_indices = @transform_7, window_bounds = array<i64: 1, 128>}, {pipeline_mode = #tpu.pipeline_mode<synchronous>, transform_indices = @transform_8, window_bounds = array<i64: 1, 128>}, {pipeline_mode = #tpu.pipeline_mode<synchronous>, transform_indices = @transform_9, window_bounds = array<i64: 1, 128>}, {pipeline_mode = #tpu.pipeline_mode<synchronous>, transform_indices = @transform_10, window_bounds = array<i64: 128, 128>}, {pipeline_mode = #tpu.pipeline_mode<synchronous>, transform_indices = @transform_11, window_bounds = array<i64: 128, 128>}, {pipeline_mode = #tpu.pipeline_mode<synchronous>, transform_indices = @transform_12, window_bounds = array<i64: 1, 128>}, {pipeline_mode = #tpu.pipeline_mode<synchronous>, transform_indices = @transform_13, window_bounds = array<i64: 128, 128>}, {pipeline_mode = #tpu.pipeline_mode<synchronous>, transform_indices = @transform_14, window_bounds = array<i64: 1, 128>}, {pipeline_mode = #tpu.pipeline_mode<synchronous>, transform_indices = @transform_15, window_bounds = array<i64: 1, 128>}, {pipeline_mode = #tpu.pipeline_mode<synchronous>, transform_indices = @transform_16, window_bounds = array<i64: 1, 128>}, {pipeline_mode = #tpu.pipeline_mode<synchronous>, transform_indices = @transform_17, window_bounds = array<i64: 128, 128>}, {transform_indices = @transform_18, window_bounds = array<i64: 4000, 128>}, {transform_indices = @transform_19, window_bounds = array<i64: 4000, 128>}]} {
    %get3A = arith.constant 0 : index
    %get3A_0 = arith.constant 0 : index
    %get3A_1 = vector.load %arg2[%get3A, %get3A_0] : memref<4000x128xf32, #tpu.memory_space<vmem>>, vector<4000x128xf32>
    %get3A_2 = arith.constant 0 : index
    %get3A_3 = arith.constant 0 : index
    %get3A_4 = vector.load %arg18[%get3A_2, %get3A_3] : memref<128x128xf32, #tpu.memory_space<vmem>>, vector<128x128xf32>
    %get3A_5 = arith.constant 0 : index
    %get3A_6 = arith.constant 0 : index
    %get3A_7 = vector.load %arg1[%get3A_5, %get3A_6] : memref<4000x128xf32, #tpu.memory_space<vmem>>, vector<4000x128xf32>
    %get3A_8 = arith.constant 0 : index
    %get3A_9 = arith.constant 0 : index
    %get3A_10 = vector.load %arg4[%get3A_8, %get3A_9] : memref<128x128xf32, #tpu.memory_space<vmem>>, vector<128x128xf32>
    %dot_general3A = arith.constant dense<0.000000e+00> : vector<4000x128xf32>
    %dot_general3A_11 = tpu.matmul %get3A_1, %get3A_10, %dot_general3A {dimension_numbers = #tpu.dot_dimension_numbers<[1], [0], [0], [1], [0, 0, 1, 1], [], []>, transpose_lhs_hint = false} : vector<4000x128xf32>, vector<128x128xf32>, vector<4000x128xf32> -> vector<4000x128xf32>
    %add3A = arith.addf %get3A_7, %dot_general3A_11 : vector<4000x128xf32>
    %get3A_12 = arith.constant 0 : index
    %get3A_13 = arith.constant 0 : index
    %get3A_14 = vector.load %arg3[%get3A_12, %get3A_13] : memref<4000x128xf32, #tpu.memory_space<vmem>>, vector<4000x128xf32>
    %get3A_15 = arith.constant 0 : index
    %get3A_16 = arith.constant 0 : index
    %get3A_17 = vector.load %arg5[%get3A_15, %get3A_16] : memref<128x128xf32, #tpu.memory_space<vmem>>, vector<128x128xf32>
    %dot_general3A_18 = arith.constant dense<0.000000e+00> : vector<4000x128xf32>
    %dot_general3A_19 = tpu.matmul %get3A_14, %get3A_17, %dot_general3A_18 {dimension_numbers = #tpu.dot_dimension_numbers<[1], [0], [0], [1], [0, 0, 1, 1], [], []>, transpose_lhs_hint = false} : vector<4000x128xf32>, vector<128x128xf32>, vector<4000x128xf32> -> vector<4000x128xf32>
    %add3A_20 = arith.addf %add3A, %dot_general3A_19 : vector<4000x128xf32>
    %get3A_21 = arith.constant 0 : index
    %get3A_22 = arith.constant 0 : index
    %get3A_23 = vector.load %arg6[%get3A_21, %get3A_22] : memref<1x128xf32, #tpu.memory_space<vmem>>, vector<1x128xf32>
    %add3A_24 = vector.broadcast %get3A_23 : vector<1x128xf32> to vector<4000x128xf32>
    %add3A_25 = arith.addf %add3A_20, %add3A_24 : vector<4000x128xf32>
    %mul3A = arith.constant 5.000000e-01 : f32
    %mul3A_26 = vector.broadcast %mul3A : f32 to vector<4000x128xf32>
    %mul3A_27 = arith.mulf %mul3A_26, %add3A_25 : vector<4000x128xf32>
    %sqrt3A = arith.constant 2.000000e+00 : f32
    %sqrt3A_28 = math.sqrt %sqrt3A : f32
    %div3A = vector.broadcast %sqrt3A_28 : f32 to vector<4000x128xf32>
    %div3A_29 = arith.divf %add3A_25, %div3A : vector<4000x128xf32>
    %erf3A = math.erf %div3A_29 : vector<4000x128xf32>
    %add3A_30 = arith.constant 1.000000e+00 : f32
    %add3A_31 = vector.broadcast %add3A_30 : f32 to vector<4000x128xf32>
    %add3A_32 = arith.addf %add3A_31, %erf3A : vector<4000x128xf32>
    %mul3A_33 = arith.mulf %mul3A_27, %add3A_32 : vector<4000x128xf32>
    %get3A_34 = arith.constant 0 : index
    %get3A_35 = arith.constant 0 : index
    %get3A_36 = vector.load %arg7[%get3A_34, %get3A_35] : memref<128x128xf32, #tpu.memory_space<vmem>>, vector<128x128xf32>
    %dot_general3A_37 = arith.constant dense<0.000000e+00> : vector<4000x128xf32>
    %dot_general3A_38 = tpu.matmul %mul3A_33, %get3A_36, %dot_general3A_37 {dimension_numbers = #tpu.dot_dimension_numbers<[1], [0], [0], [1], [0, 0, 1, 1], [], []>, transpose_lhs_hint = false} : vector<4000x128xf32>, vector<128x128xf32>, vector<4000x128xf32> -> vector<4000x128xf32>
    %get3A_39 = arith.constant 0 : index
    %get3A_40 = arith.constant 0 : index
    %get3A_41 = vector.load %arg8[%get3A_39, %get3A_40] : memref<1x128xf32, #tpu.memory_space<vmem>>, vector<1x128xf32>
    %add3A_42 = vector.broadcast %get3A_41 : vector<1x128xf32> to vector<4000x128xf32>
    %add3A_43 = arith.addf %dot_general3A_38, %add3A_42 : vector<4000x128xf32>
    %mul3A_44 = arith.constant 5.000000e-01 : f32
    %mul3A_45 = vector.broadcast %mul3A_44 : f32 to vector<4000x128xf32>
    %mul3A_46 = arith.mulf %mul3A_45, %add3A_43 : vector<4000x128xf32>
    %sqrt3A_47 = arith.constant 2.000000e+00 : f32
    %sqrt3A_48 = math.sqrt %sqrt3A_47 : f32
    %div3A_49 = vector.broadcast %sqrt3A_48 : f32 to vector<4000x128xf32>
    %div3A_50 = arith.divf %add3A_43, %div3A_49 : vector<4000x128xf32>
    %erf3A_51 = math.erf %div3A_50 : vector<4000x128xf32>
    %add3A_52 = arith.constant 1.000000e+00 : f32
    %add3A_53 = vector.broadcast %add3A_52 : f32 to vector<4000x128xf32>
    %add3A_54 = arith.addf %add3A_53, %erf3A_51 : vector<4000x128xf32>
    %mul3A_55 = arith.mulf %mul3A_46, %add3A_54 : vector<4000x128xf32>
    %get3A_56 = arith.constant 0 : index
    %get3A_57 = arith.constant 0 : index
    %get3A_58 = vector.load %arg9[%get3A_56, %get3A_57] : memref<1x128xf32, #tpu.memory_space<vmem>>, vector<1x128xf32>
    %get3A_59 = arith.constant 0 : index
    %get3A_60 = arith.constant 0 : index
    %get3A_61 = vector.load %arg10[%get3A_59, %get3A_60] : memref<1x128xf32, #tpu.memory_space<vmem>>, vector<1x128xf32>
    %dot_general3A_62 = arith.constant dense<0.000000e+00> : vector<4000x128xf32>
    %dot_general3A_63 = tpu.matmul %mul3A_55, %get3A_4, %dot_general3A_62 {dimension_numbers = #tpu.dot_dimension_numbers<[1], [0], [0], [1], [0, 0, 1, 1], [], []>, transpose_lhs_hint = false} : vector<4000x128xf32>, vector<128x128xf32>, vector<4000x128xf32> -> vector<4000x128xf32>
    %sub3A = arith.subf %mul3A_55, %dot_general3A_63 : vector<4000x128xf32>
    %mul3A_64 = arith.mulf %sub3A, %sub3A : vector<4000x128xf32>
    %dot_general3A_65 = arith.constant dense<0.000000e+00> : vector<4000x128xf32>
    %dot_general3A_66 = tpu.matmul %mul3A_64, %get3A_4, %dot_general3A_65 {dimension_numbers = #tpu.dot_dimension_numbers<[1], [0], [0], [1], [0, 0, 1, 1], [], []>, transpose_lhs_hint = false} : vector<4000x128xf32>, vector<128x128xf32>, vector<4000x128xf32> -> vector<4000x128xf32>
    %add3A_67 = arith.constant 9.99999974E-6 : f32
    %add3A_68 = vector.broadcast %add3A_67 : f32 to vector<4000x128xf32>
    %add3A_69 = arith.addf %dot_general3A_66, %add3A_68 : vector<4000x128xf32>
    %sqrt3A_70 = math.sqrt %add3A_69 : vector<4000x128xf32>
    %div3A_71 = arith.divf %sub3A, %sqrt3A_70 : vector<4000x128xf32>
    %mul3A_72 = vector.broadcast %get3A_58 : vector<1x128xf32> to vector<4000x128xf32>
    %mul3A_73 = arith.mulf %div3A_71, %mul3A_72 : vector<4000x128xf32>
    %add3A_74 = vector.broadcast %get3A_61 : vector<1x128xf32> to vector<4000x128xf32>
    %add3A_75 = arith.addf %mul3A_73, %add3A_74 : vector<4000x128xf32>
    %swap3A = arith.constant 0 : index
    %swap3A_76 = arith.constant 0 : index
    %swap3A_77 = vector.load %arg19[%swap3A, %swap3A_76] : memref<4000x128xf32, #tpu.memory_space<vmem>>, vector<4000x128xf32>
    tpu.vector_store %arg19[%swap3A, %swap3A_76], %add3A_75 {strides = array<i32>} : memref<4000x128xf32, #tpu.memory_space<vmem>>, vector<4000x128xf32>,
    %get3A_78 = arith.constant 0 : index
    %get3A_79 = arith.constant 0 : index
    %get3A_80 = vector.load %arg11[%get3A_78, %get3A_79] : memref<128x128xf32, #tpu.memory_space<vmem>>, vector<128x128xf32>
    %dot_general3A_81 = arith.constant dense<0.000000e+00> : vector<4000x128xf32>
    %dot_general3A_82 = tpu.matmul %get3A_1, %get3A_80, %dot_general3A_81 {dimension_numbers = #tpu.dot_dimension_numbers<[1], [0], [0], [1], [0, 0, 1, 1], [], []>, transpose_lhs_hint = false} : vector<4000x128xf32>, vector<128x128xf32>, vector<4000x128xf32> -> vector<4000x128xf32>
    %get3A_83 = arith.constant 0 : index
    %get3A_84 = arith.constant 0 : index
    %get3A_85 = vector.load %arg12[%get3A_83, %get3A_84] : memref<128x128xf32, #tpu.memory_space<vmem>>, vector<128x128xf32>
    %dot_general3A_86 = arith.constant dense<0.000000e+00> : vector<4000x128xf32>
    %dot_general3A_87 = tpu.matmul %add3A_75, %get3A_85, %dot_general3A_86 {dimension_numbers = #tpu.dot_dimension_numbers<[1], [0], [0], [1], [0, 0, 1, 1], [], []>, transpose_lhs_hint = false} : vector<4000x128xf32>, vector<128x128xf32>, vector<4000x128xf32> -> vector<4000x128xf32>
    %add3A_88 = arith.addf %dot_general3A_82, %dot_general3A_87 : vector<4000x128xf32>
    %get3A_89 = arith.constant 0 : index
    %get3A_90 = arith.constant 0 : index
    %get3A_91 = vector.load %arg13[%get3A_89, %get3A_90] : memref<1x128xf32, #tpu.memory_space<vmem>>, vector<1x128xf32>
    %add3A_92 = vector.broadcast %get3A_91 : vector<1x128xf32> to vector<4000x128xf32>
    %add3A_93 = arith.addf %add3A_88, %add3A_92 : vector<4000x128xf32>
    %mul3A_94 = arith.constant 5.000000e-01 : f32
    %mul3A_95 = vector.broadcast %mul3A_94 : f32 to vector<4000x128xf32>
    %mul3A_96 = arith.mulf %mul3A_95, %add3A_93 : vector<4000x128xf32>
    %sqrt3A_97 = arith.constant 2.000000e+00 : f32
    %sqrt3A_98 = math.sqrt %sqrt3A_97 : f32
    %div3A_99 = vector.broadcast %sqrt3A_98 : f32 to vector<4000x128xf32>
    %div3A_100 = arith.divf %add3A_93, %div3A_99 : vector<4000x128xf32>
    %erf3A_101 = math.erf %div3A_100 : vector<4000x128xf32>
    %add3A_102 = arith.constant 1.000000e+00 : f32
    %add3A_103 = vector.broadcast %add3A_102 : f32 to vector<4000x128xf32>
    %add3A_104 = arith.addf %add3A_103, %erf3A_101 : vector<4000x128xf32>
    %mul3A_105 = arith.mulf %mul3A_96, %add3A_104 : vector<4000x128xf32>
    %get3A_106 = arith.constant 0 : index
    %get3A_107 = arith.constant 0 : index
    %get3A_108 = vector.load %arg14[%get3A_106, %get3A_107] : memref<128x128xf32, #tpu.memory_space<vmem>>, vector<128x128xf32>
    %dot_general3A_109 = arith.constant dense<0.000000e+00> : vector<4000x128xf32>
    %dot_general3A_110 = tpu.matmul %mul3A_105, %get3A_108, %dot_general3A_109 {dimension_numbers = #tpu.dot_dimension_numbers<[1], [0], [0], [1], [0, 0, 1, 1], [], []>, transpose_lhs_hint = false} : vector<4000x128xf32>, vector<128x128xf32>, vector<4000x128xf32> -> vector<4000x128xf32>
    %get3A_111 = arith.constant 0 : index
    %get3A_112 = arith.constant 0 : index
    %get3A_113 = vector.load %arg15[%get3A_111, %get3A_112] : memref<1x128xf32, #tpu.memory_space<vmem>>, vector<1x128xf32>
    %add3A_114 = vector.broadcast %get3A_113 : vector<1x128xf32> to vector<4000x128xf32>
    %add3A_115 = arith.addf %dot_general3A_110, %add3A_114 : vector<4000x128xf32>
    %mul3A_116 = arith.constant 5.000000e-01 : f32
    %mul3A_117 = vector.broadcast %mul3A_116 : f32 to vector<4000x128xf32>
    %mul3A_118 = arith.mulf %mul3A_117, %add3A_115 : vector<4000x128xf32>
    %sqrt3A_119 = arith.constant 2.000000e+00 : f32
    %sqrt3A_120 = math.sqrt %sqrt3A_119 : f32
    %div3A_121 = vector.broadcast %sqrt3A_120 : f32 to vector<4000x128xf32>
    %div3A_122 = arith.divf %add3A_115, %div3A_121 : vector<4000x128xf32>
    %erf3A_123 = math.erf %div3A_122 : vector<4000x128xf32>
    %add3A_124 = arith.constant 1.000000e+00 : f32
    %add3A_125 = vector.broadcast %add3A_124 : f32 to vector<4000x128xf32>
    %add3A_126 = arith.addf %add3A_125, %erf3A_123 : vector<4000x128xf32>
    %mul3A_127 = arith.mulf %mul3A_118, %add3A_126 : vector<4000x128xf32>
    %get3A_128 = arith.constant 0 : index
    %get3A_129 = arith.constant 0 : index
    %get3A_130 = vector.load %arg16[%get3A_128, %get3A_129] : memref<1x128xf32, #tpu.memory_space<vmem>>, vector<1x128xf32>
    %get3A_131 = arith.constant 0 : index
    %get3A_132 = arith.constant 0 : index
    %get3A_133 = vector.load %arg17[%get3A_131, %get3A_132] : memref<1x128xf32, #tpu.memory_space<vmem>>, vector<1x128xf32>
    %dot_general3A_134 = arith.constant dense<0.000000e+00> : vector<4000x128xf32>
    %dot_general3A_135 = tpu.matmul %mul3A_127, %get3A_4, %dot_general3A_134 {dimension_numbers = #tpu.dot_dimension_numbers<[1], [0], [0], [1], [0, 0, 1, 1], [], []>, transpose_lhs_hint = false} : vector<4000x128xf32>, vector<128x128xf32>, vector<4000x128xf32> -> vector<4000x128xf32>
    %sub3A_136 = arith.subf %mul3A_127, %dot_general3A_135 : vector<4000x128xf32>
    %mul3A_137 = arith.mulf %sub3A_136, %sub3A_136 : vector<4000x128xf32>
    %dot_general3A_138 = arith.constant dense<0.000000e+00> : vector<4000x128xf32>
    %dot_general3A_139 = tpu.matmul %mul3A_137, %get3A_4, %dot_general3A_138 {dimension_numbers = #tpu.dot_dimension_numbers<[1], [0], [0], [1], [0, 0, 1, 1], [], []>, transpose_lhs_hint = false} : vector<4000x128xf32>, vector<128x128xf32>, vector<4000x128xf32> -> vector<4000x128xf32>
    %add3A_140 = arith.constant 9.99999974E-6 : f32
    %add3A_141 = vector.broadcast %add3A_140 : f32 to vector<4000x128xf32>
    %add3A_142 = arith.addf %dot_general3A_139, %add3A_141 : vector<4000x128xf32>
    %sqrt3A_143 = math.sqrt %add3A_142 : vector<4000x128xf32>
    %div3A_144 = arith.divf %sub3A_136, %sqrt3A_143 : vector<4000x128xf32>
    %mul3A_145 = vector.broadcast %get3A_130 : vector<1x128xf32> to vector<4000x128xf32>
    %mul3A_146 = arith.mulf %div3A_144, %mul3A_145 : vector<4000x128xf32>
    %add3A_147 = vector.broadcast %get3A_133 : vector<1x128xf32> to vector<4000x128xf32>
    %add3A_148 = arith.addf %mul3A_146, %add3A_147 : vector<4000x128xf32>
    %swap3A_149 = arith.constant 0 : index
    %swap3A_150 = arith.constant 0 : index
    %swap3A_151 = vector.load %arg20[%swap3A_149, %swap3A_150] : memref<4000x128xf32, #tpu.memory_space<vmem>>, vector<4000x128xf32>
    tpu.vector_store %arg20[%swap3A_149, %swap3A_150], %add3A_148 {strides = array<i32>} : memref<4000x128xf32, #tpu.memory_space<vmem>>, vector<4000x128xf32>,
    return
  }
  func.func @transform_0(%arg0: i32) -> (i32, i32) {
    %c0_i32 = arith.constant 0 : i32
    %c0_i32_0 = arith.constant 0 : i32
    return %arg0, %c0_i32 : i32, i32
  }
  func.func @transform_1(%arg0: i32) -> (i32, i32) {
    %c0_i32 = arith.constant 0 : i32
    %c0_i32_0 = arith.constant 0 : i32
    return %arg0, %c0_i32 : i32, i32
  }
  func.func @transform_2(%arg0: i32) -> (i32, i32) {
    %c0_i32 = arith.constant 0 : i32
    %c0_i32_0 = arith.constant 0 : i32
    return %arg0, %c0_i32 : i32, i32
  }
  func.func @transform_3(%arg0: i32) -> (i32, i32) {
    %c0_i32 = arith.constant 0 : i32
    %c0_i32_0 = arith.constant 0 : i32
    %c0_i32_1 = arith.constant 0 : i32
    return %c0_i32, %c0_i32_0 : i32, i32
  }
  func.func @transform_4(%arg0: i32) -> (i32, i32) {
    %c0_i32 = arith.constant 0 : i32
    %c0_i32_0 = arith.constant 0 : i32
    %c0_i32_1 = arith.constant 0 : i32
    return %c0_i32, %c0_i32_0 : i32, i32
  }
  func.func @transform_5(%arg0: i32) -> (i32, i32) {
    %c0_i32 = arith.constant 0 : i32
    %c0_i32_0 = arith.constant 0 : i32
    %c0_i32_1 = arith.constant 0 : i32
    return %c0_i32, %c0_i32_0 : i32, i32
  }
  func.func @transform_6(%arg0: i32) -> (i32, i32) {
    %c0_i32 = arith.constant 0 : i32
    %c0_i32_0 = arith.constant 0 : i32
    %c0_i32_1 = arith.constant 0 : i32
    return %c0_i32, %c0_i32_0 : i32, i32
  }
  func.func @transform_7(%arg0: i32) -> (i32, i32) {
    %c0_i32 = arith.constant 0 : i32
    %c0_i32_0 = arith.constant 0 : i32
    %c0_i32_1 = arith.constant 0 : i32
    return %c0_i32, %c0_i32_0 : i32, i32
  }
  func.func @transform_8(%arg0: i32) -> (i32, i32) {
    %c0_i32 = arith.constant 0 : i32
    %c0_i32_0 = arith.constant 0 : i32
    %c0_i32_1 = arith.constant 0 : i32
    return %c0_i32, %c0_i32_0 : i32, i32
  }
  func.func @transform_9(%arg0: i32) -> (i32, i32) {
    %c0_i32 = arith.constant 0 : i32
    %c0_i32_0 = arith.constant 0 : i32
    %c0_i32_1 = arith.constant 0 : i32
    return %c0_i32, %c0_i32_0 : i32, i32
  }
  func.func @transform_10(%arg0: i32) -> (i32, i32) {
    %c0_i32 = arith.constant 0 : i32
    %c0_i32_0 = arith.constant 0 : i32
    %c0_i32_1 = arith.constant 0 : i32
    return %c0_i32, %c0_i32_0 : i32, i32
  }
  func.func @transform_11(%arg0: i32) -> (i32, i32) {
    %c0_i32 = arith.constant 0 : i32
    %c0_i32_0 = arith.constant 0 : i32
    %c0_i32_1 = arith.constant 0 : i32
    return %c0_i32, %c0_i32_0 : i32, i32
  }
  func.func @transform_12(%arg0: i32) -> (i32, i32) {
    %c0_i32 = arith.constant 0 : i32
    %c0_i32_0 = arith.constant 0 : i32
    %c0_i32_1 = arith.constant 0 : i32
    return %c0_i32, %c0_i32_0 : i32, i32
  }
  func.func @transform_13(%arg0: i32) -> (i32, i32) {
    %c0_i32 = arith.constant 0 : i32
    %c0_i32_0 = arith.constant 0 : i32
    %c0_i32_1 = arith.constant 0 : i32
    return %c0_i32, %c0_i32_0 : i32, i32
  }
  func.func @transform_14(%arg0: i32) -> (i32, i32) {
    %c0_i32 = arith.constant 0 : i32
    %c0_i32_0 = arith.constant 0 : i32
    %c0_i32_1 = arith.constant 0 : i32
    return %c0_i32, %c0_i32_0 : i32, i32
  }
  func.func @transform_15(%arg0: i32) -> (i32, i32) {
    %c0_i32 = arith.constant 0 : i32
    %c0_i32_0 = arith.constant 0 : i32
    %c0_i32_1 = arith.constant 0 : i32
    return %c0_i32, %c0_i32_0 : i32, i32
  }
  func.func @transform_16(%arg0: i32) -> (i32, i32) {
    %c0_i32 = arith.constant 0 : i32
    %c0_i32_0 = arith.constant 0 : i32
    %c0_i32_1 = arith.constant 0 : i32
    return %c0_i32, %c0_i32_0 : i32, i32
  }
  func.func @transform_17(%arg0: i32) -> (i32, i32) {
    %c0_i32 = arith.constant 0 : i32
    %c0_i32_0 = arith.constant 0 : i32
    %c0_i32_1 = arith.constant 0 : i32
    return %c0_i32, %c0_i32_0 : i32, i32
  }
  func.func @transform_18(%arg0: i32) -> (i32, i32) {
    %c0_i32 = arith.constant 0 : i32
    %c0_i32_0 = arith.constant 0 : i32
    return %arg0, %c0_i32 : i32, i32
  }
  func.func @transform_19(%arg0: i32) -> (i32, i32) {
    %c0_i32 = arith.constant 0 : i32
    %c0_i32_0 = arith.constant 0 : i32
    return %arg0, %c0_i32 : i32, i32
  }
}

module attributes {stable_mosaic.version = 14 : i64} {
  func.func @_node_body(%arg0: i32, %arg1: memref<1000x32xf32, #tpu.memory_space<vmem>>, %arg2: memref<1000x32xf32, #tpu.memory_space<vmem>>, %arg3: memref<1000x8xf32, #tpu.memory_space<vmem>>, %arg4: memref<1000x8xf32, #tpu.memory_space<vmem>>, %arg5: memref<1000x32xf32, #tpu.memory_space<vmem>>, %arg6: memref<1x1x1000xi32, #tpu.memory_space<vmem>>, %arg7: memref<64x32xf32, #tpu.memory_space<vmem>>, %arg8: memref<32x32xf32, #tpu.memory_space<vmem>>, %arg9: memref<32x32xf32, #tpu.memory_space<vmem>>, %arg10: memref<1x32xf32, #tpu.memory_space<vmem>>, %arg11: memref<32x32xf32, #tpu.memory_space<vmem>>, %arg12: memref<1x32xf32, #tpu.memory_space<vmem>>, %arg13: memref<1x32xf32, #tpu.memory_space<vmem>>, %arg14: memref<1x32xf32, #tpu.memory_space<vmem>>, %arg15: memref<1000x32xf32, #tpu.memory_space<vmem>>, %arg16: memref<64x32xf32, #tpu.memory_space<vmem>>, %arg17: memref<64x1xf32, #tpu.memory_space<vmem>>) attributes {dimension_semantics = [#tpu.dimension_semantics<arbitrary>], iteration_bounds = array<i64: 50>, scalar_prefetch = 0 : i64, scratch_operands = 0 : i64, tpu.core_type = #tpu.core_type<tc>, window_params = [{transform_indices = @transform_0, window_bounds = array<i64: 1000, 32>}, {transform_indices = @transform_1, window_bounds = array<i64: 1000, 32>}, {transform_indices = @transform_2, window_bounds = array<i64: 1000, 8>}, {transform_indices = @transform_3, window_bounds = array<i64: 1000, 8>}, {transform_indices = @transform_4, window_bounds = array<i64: 1000, 32>}, {transform_indices = @transform_5, window_bounds = array<i64: 1, 1, 1000>}, {pipeline_mode = #tpu.pipeline_mode<synchronous>, transform_indices = @transform_6, window_bounds = array<i64: 64, 32>}, {pipeline_mode = #tpu.pipeline_mode<synchronous>, transform_indices = @transform_7, window_bounds = array<i64: 32, 32>}, {pipeline_mode = #tpu.pipeline_mode<synchronous>, transform_indices = @transform_8, window_bounds = array<i64: 32, 32>}, {pipeline_mode = #tpu.pipeline_mode<synchronous>, transform_indices = @transform_9, window_bounds = array<i64: 1, 32>}, {pipeline_mode = #tpu.pipeline_mode<synchronous>, transform_indices = @transform_10, window_bounds = array<i64: 32, 32>}, {pipeline_mode = #tpu.pipeline_mode<synchronous>, transform_indices = @transform_11, window_bounds = array<i64: 1, 32>}, {pipeline_mode = #tpu.pipeline_mode<synchronous>, transform_indices = @transform_12, window_bounds = array<i64: 1, 32>}, {pipeline_mode = #tpu.pipeline_mode<synchronous>, transform_indices = @transform_13, window_bounds = array<i64: 1, 32>}, {transform_indices = @transform_14, window_bounds = array<i64: 1000, 32>}, {pipeline_mode = #tpu.pipeline_mode<synchronous>, transform_indices = @transform_15, window_bounds = array<i64: 64, 32>}, {pipeline_mode = #tpu.pipeline_mode<synchronous>, transform_indices = @transform_16, window_bounds = array<i64: 64, 1>}]} {
    %get3A = arith.constant 0 : index
    %get3A_0 = arith.constant 0 : index
    %get3A_1 = vector.load %arg3[%get3A, %get3A_0] : memref<1000x8xf32, #tpu.memory_space<vmem>>, vector<1000x1xf32>
    %get3A_2 = arith.constant 0 : index
    %get3A_3 = arith.constant 0 : index
    %get3A_4 = vector.load %arg4[%get3A_2, %get3A_3] : memref<1000x8xf32, #tpu.memory_space<vmem>>, vector<1000x1xf32>
    %add3A = arith.addf %get3A_1, %get3A_4 : vector<1000x1xf32>
    %max3A = arith.constant 1.000000e+00 : f32
    %max3A_5 = vector.broadcast %max3A : f32 to vector<1000x1xf32>
    %max3A_6 = arith.maximumf %add3A, %max3A_5 : vector<1000x1xf32>
    %get3A_7 = arith.constant 0 : index
    %get3A_8 = arith.constant 0 : index
    %get3A_9 = vector.load %arg1[%get3A_7, %get3A_8] : memref<1000x32xf32, #tpu.memory_space<vmem>>, vector<1000x32xf32>
    %get3A_10 = arith.constant 0 : index
    %get3A_11 = arith.constant 0 : index
    %get3A_12 = vector.load %arg2[%get3A_10, %get3A_11] : memref<1000x32xf32, #tpu.memory_space<vmem>>, vector<1000x32xf32>
    %add3A_13 = arith.addf %get3A_9, %get3A_12 : vector<1000x32xf32>
    %div3A = vector.broadcast %max3A_6 : vector<1000x1xf32> to vector<1000x32xf32>
    %div3A_14 = arith.divf %add3A_13, %div3A : vector<1000x32xf32>
    %get3A_15 = arith.constant 0 : index
    %get3A_16 = arith.constant 0 : index
    %get3A_17 = vector.load %arg5[%get3A_15, %get3A_16] : memref<1000x32xf32, #tpu.memory_space<vmem>>, vector<1000x32xf32>
    %get3A_18 = arith.constant 0 : index
    %get3A_19 = arith.constant 0 : index
    %get3A_20 = vector.load %arg8[%get3A_18, %get3A_19] : memref<32x32xf32, #tpu.memory_space<vmem>>, vector<32x32xf32>
    %dot_general3A = arith.constant dense<0.000000e+00> : vector<1000x32xf32>
    %dot_general3A_21 = tpu.matmul %div3A_14, %get3A_20, %dot_general3A {dimension_numbers = #tpu.dot_dimension_numbers<[1], [0], [0], [1], [0, 0, 1, 1], [], []>, transpose_lhs_hint = false} : vector<1000x32xf32>, vector<32x32xf32>, vector<1000x32xf32> -> vector<1000x32xf32>
    %get3A_22 = arith.constant 0 : index
    %get3A_23 = arith.constant 0 : index
    %get3A_24 = vector.load %arg9[%get3A_22, %get3A_23] : memref<32x32xf32, #tpu.memory_space<vmem>>, vector<32x32xf32>
    %dot_general3A_25 = arith.constant dense<0.000000e+00> : vector<1000x32xf32>
    %dot_general3A_26 = tpu.matmul %get3A_17, %get3A_24, %dot_general3A_25 {dimension_numbers = #tpu.dot_dimension_numbers<[1], [0], [0], [1], [0, 0, 1, 1], [], []>, transpose_lhs_hint = false} : vector<1000x32xf32>, vector<32x32xf32>, vector<1000x32xf32> -> vector<1000x32xf32>
    %add3A_27 = arith.addf %dot_general3A_21, %dot_general3A_26 : vector<1000x32xf32>
    %get3A_28 = arith.constant 0 : index
    %get3A_29 = arith.constant 0 : index
    %get3A_30 = vector.load %arg10[%get3A_28, %get3A_29] : memref<1x32xf32, #tpu.memory_space<vmem>>, vector<1x32xf32>
    %add3A_31 = vector.broadcast %get3A_30 : vector<1x32xf32> to vector<1000x32xf32>
    %add3A_32 = arith.addf %add3A_27, %add3A_31 : vector<1000x32xf32>
    %mul3A = arith.constant 5.000000e-01 : f32
    %mul3A_33 = vector.broadcast %mul3A : f32 to vector<1000x32xf32>
    %mul3A_34 = arith.mulf %mul3A_33, %add3A_32 : vector<1000x32xf32>
    %sqrt3A = arith.constant 2.000000e+00 : f32
    %sqrt3A_35 = math.sqrt %sqrt3A : f32
    %div3A_36 = vector.broadcast %sqrt3A_35 : f32 to vector<1000x32xf32>
    %div3A_37 = arith.divf %add3A_32, %div3A_36 : vector<1000x32xf32>
    %erf3A = math.erf %div3A_37 : vector<1000x32xf32>
    %add3A_38 = arith.constant 1.000000e+00 : f32
    %add3A_39 = vector.broadcast %add3A_38 : f32 to vector<1000x32xf32>
    %add3A_40 = arith.addf %add3A_39, %erf3A : vector<1000x32xf32>
    %mul3A_41 = arith.mulf %mul3A_34, %add3A_40 : vector<1000x32xf32>
    %get3A_42 = arith.constant 0 : index
    %get3A_43 = arith.constant 0 : index
    %get3A_44 = vector.load %arg11[%get3A_42, %get3A_43] : memref<32x32xf32, #tpu.memory_space<vmem>>, vector<32x32xf32>
    %get3A_45 = arith.constant 0 : index
    %get3A_46 = arith.constant 0 : index
    %get3A_47 = vector.load %arg12[%get3A_45, %get3A_46] : memref<1x32xf32, #tpu.memory_space<vmem>>, vector<1x32xf32>
    %get3A_48 = arith.constant 0 : index
    %get3A_49 = arith.constant 0 : index
    %get3A_50 = vector.load %arg13[%get3A_48, %get3A_49] : memref<1x32xf32, #tpu.memory_space<vmem>>, vector<1x32xf32>
    %get3A_51 = arith.constant 0 : index
    %get3A_52 = arith.constant 0 : index
    %get3A_53 = vector.load %arg14[%get3A_51, %get3A_52] : memref<1x32xf32, #tpu.memory_space<vmem>>, vector<1x32xf32>
    %dot_general3A_54 = arith.constant dense<0.000000e+00> : vector<1000x32xf32>
    %dot_general3A_55 = tpu.matmul %mul3A_41, %get3A_44, %dot_general3A_54 {dimension_numbers = #tpu.dot_dimension_numbers<[1], [0], [0], [1], [0, 0, 1, 1], [], []>, transpose_lhs_hint = false} : vector<1000x32xf32>, vector<32x32xf32>, vector<1000x32xf32> -> vector<1000x32xf32>
    %add3A_56 = vector.broadcast %get3A_47 : vector<1x32xf32> to vector<1000x32xf32>
    %add3A_57 = arith.addf %dot_general3A_55, %add3A_56 : vector<1000x32xf32>
    %mul3A_58 = arith.constant 5.000000e-01 : f32
    %mul3A_59 = vector.broadcast %mul3A_58 : f32 to vector<1000x32xf32>
    %mul3A_60 = arith.mulf %mul3A_59, %add3A_57 : vector<1000x32xf32>
    %sqrt3A_61 = arith.constant 2.000000e+00 : f32
    %sqrt3A_62 = math.sqrt %sqrt3A_61 : f32
    %div3A_63 = vector.broadcast %sqrt3A_62 : f32 to vector<1000x32xf32>
    %div3A_64 = arith.divf %add3A_57, %div3A_63 : vector<1000x32xf32>
    %erf3A_65 = math.erf %div3A_64 : vector<1000x32xf32>
    %add3A_66 = arith.constant 1.000000e+00 : f32
    %add3A_67 = vector.broadcast %add3A_66 : f32 to vector<1000x32xf32>
    %add3A_68 = arith.addf %add3A_67, %erf3A_65 : vector<1000x32xf32>
    %mul3A_69 = arith.mulf %mul3A_60, %add3A_68 : vector<1000x32xf32>
    %reduce_sum3A = arith.constant dense<0.000000e+00> : vector<1000xf32>
    %reduce_sum3A_70 = vector.multi_reduction <add>, %mul3A_69, %reduce_sum3A [1] : vector<1000x32xf32> to vector<1000xf32>
    %broadcast_in_dim3A = vector.shape_cast %reduce_sum3A_70 : vector<1000xf32> to vector<1000x1xf32>
    %div3A_71 = arith.constant 3.200000e+01 : f32
    %div3A_72 = vector.broadcast %div3A_71 : f32 to vector<1000x1xf32>
    %div3A_73 = arith.divf %broadcast_in_dim3A, %div3A_72 : vector<1000x1xf32>
    %sub3A = vector.broadcast %div3A_73 : vector<1000x1xf32> to vector<1000x32xf32>
    %sub3A_74 = arith.subf %mul3A_69, %sub3A : vector<1000x32xf32>
    %integer_pow3A = arith.mulf %sub3A_74, %sub3A_74 : vector<1000x32xf32>
    %reduce_sum3A_75 = arith.constant dense<0.000000e+00> : vector<1000xf32>
    %reduce_sum3A_76 = vector.multi_reduction <add>, %integer_pow3A, %reduce_sum3A_75 [1] : vector<1000x32xf32> to vector<1000xf32>
    %broadcast_in_dim3A_77 = vector.shape_cast %reduce_sum3A_76 : vector<1000xf32> to vector<1000x1xf32>
    %div3A_78 = arith.constant 3.200000e+01 : f32
    %div3A_79 = vector.broadcast %div3A_78 : f32 to vector<1000x1xf32>
    %div3A_80 = arith.divf %broadcast_in_dim3A_77, %div3A_79 : vector<1000x1xf32>
    %sub3A_81 = vector.broadcast %div3A_73 : vector<1000x1xf32> to vector<1000x32xf32>
    %sub3A_82 = arith.subf %mul3A_69, %sub3A_81 : vector<1000x32xf32>
    %add3A_83 = arith.constant 9.99999974E-6 : f32
    %add3A_84 = vector.broadcast %add3A_83 : f32 to vector<1000x1xf32>
    %add3A_85 = arith.addf %div3A_80, %add3A_84 : vector<1000x1xf32>
    %sqrt3A_86 = math.sqrt %add3A_85 : vector<1000x1xf32>
    %div3A_87 = vector.broadcast %sqrt3A_86 : vector<1000x1xf32> to vector<1000x32xf32>
    %div3A_88 = arith.divf %sub3A_82, %div3A_87 : vector<1000x32xf32>
    %mul3A_89 = vector.broadcast %get3A_50 : vector<1x32xf32> to vector<1000x32xf32>
    %mul3A_90 = arith.mulf %div3A_88, %mul3A_89 : vector<1000x32xf32>
    %add3A_91 = vector.broadcast %get3A_53 : vector<1x32xf32> to vector<1000x32xf32>
    %add3A_92 = arith.addf %mul3A_90, %add3A_91 : vector<1000x32xf32>
    %swap3A = arith.constant 0 : index
    %swap3A_93 = arith.constant 0 : index
    %swap3A_94 = vector.load %arg15[%swap3A, %swap3A_93] : memref<1000x32xf32, #tpu.memory_space<vmem>>, vector<1000x32xf32>
    tpu.vector_store %arg15[%swap3A, %swap3A_93], %add3A_92 {strides = array<i32>} : memref<1000x32xf32, #tpu.memory_space<vmem>>, vector<1000x32xf32>,
    %get3A_95 = arith.constant 0 : index
    %get3A_96 = arith.constant 0 : index
    %get3A_97 = arith.constant 0 : index
    %get3A_98 = vector.load %arg6[%get3A_95, %get3A_96, %get3A_97] : memref<1x1x1000xi32, #tpu.memory_space<vmem>>, vector<1x1x1000xi32>
    %reshape3A = vector.shape_cast %get3A_98 : vector<1x1x1000xi32> to vector<1x1000xi32>
    %iota3A = tpu.iota {dimensions = array<i32: 0>} : vector<64x1000xi32>
    %eq3A = vector.broadcast %reshape3A : vector<1x1000xi32> to vector<64x1000xi32>
    %eq3A_99 = arith.cmpi eq, %iota3A, %eq3A : vector<64x1000xi32>
    %convert_element_type3A = arith.extui %eq3A_99 : vector<64x1000xi1> to vector<64x1000xi32>
    %convert_element_type3A_100 = arith.sitofp %convert_element_type3A : vector<64x1000xi32> to vector<64x1000xf32>
    %dot_general3A_101 = arith.constant dense<0.000000e+00> : vector<64x32xf32>
    %dot_general3A_102 = tpu.matmul %convert_element_type3A_100, %add3A_92, %dot_general3A_101 {dimension_numbers = #tpu.dot_dimension_numbers<[1], [0], [0], [1], [0, 0, 1, 1], [], []>, transpose_lhs_hint = false} : vector<64x1000xf32>, vector<1000x32xf32>, vector<64x32xf32> -> vector<64x32xf32>
    %reduce_sum3A_103 = arith.constant dense<0.000000e+00> : vector<64xf32>
    %reduce_sum3A_104 = vector.multi_reduction <add>, %convert_element_type3A_100, %reduce_sum3A_103 [1] : vector<64x1000xf32> to vector<64xf32>
    %broadcast_in_dim3A_105 = vector.shape_cast %reduce_sum3A_104 : vector<64xf32> to vector<64x1xf32>
    %eq3A_106 = arith.constant 0 : i32
    %eq3A_107 = arith.cmpi eq, %arg0, %eq3A_106 : i32
    %convert_element_type3A_108 = arith.extui %eq3A_107 : i1 to i32
    %cond3A = arith.constant 0 : i32
    %cond3A_109 = arith.cmpi ne, %convert_element_type3A_108, %cond3A : i32
    scf.if %cond3A_109 {
      %swap3A_114 = arith.constant 0 : index
      %swap3A_115 = arith.constant 0 : index
      %swap3A_116 = vector.load %arg16[%swap3A_114, %swap3A_115] : memref<64x32xf32, #tpu.memory_space<vmem>>, vector<64x32xf32>
      tpu.vector_store %arg16[%swap3A_114, %swap3A_115], %dot_general3A_102 {strides = array<i32>} : memref<64x32xf32, #tpu.memory_space<vmem>>, vector<64x32xf32>,
      %swap3A_117 = arith.constant 0 : index
      %swap3A_118 = arith.constant 0 : index
      %swap3A_119 = vector.load %arg17[%swap3A_117, %swap3A_118] : memref<64x1xf32, #tpu.memory_space<vmem>>, vector<64x1xf32>
      tpu.vector_store %arg17[%swap3A_117, %swap3A_118], %broadcast_in_dim3A_105 {strides = array<i32>} : memref<64x1xf32, #tpu.memory_space<vmem>>, vector<64x1xf32>,
    } else {
    }
    %gt3A = arith.constant 0 : i32
    %gt3A_110 = arith.cmpi sgt, %arg0, %gt3A : i32
    %convert_element_type3A_111 = arith.extui %gt3A_110 : i1 to i32
    %cond3A_112 = arith.constant 0 : i32
    %cond3A_113 = arith.cmpi ne, %convert_element_type3A_111, %cond3A_112 : i32
    scf.if %cond3A_113 {
      %get3A_114 = arith.constant 0 : index
      %get3A_115 = arith.constant 0 : index
      %get3A_116 = vector.load %arg16[%get3A_114, %get3A_115] : memref<64x32xf32, #tpu.memory_space<vmem>>, vector<64x32xf32>
      %add3A_117 = arith.addf %get3A_116, %dot_general3A_102 : vector<64x32xf32>
      %swap3A_118 = arith.constant 0 : index
      %swap3A_119 = arith.constant 0 : index
      %swap3A_120 = vector.load %arg16[%swap3A_118, %swap3A_119] : memref<64x32xf32, #tpu.memory_space<vmem>>, vector<64x32xf32>
      tpu.vector_store %arg16[%swap3A_118, %swap3A_119], %add3A_117 {strides = array<i32>} : memref<64x32xf32, #tpu.memory_space<vmem>>, vector<64x32xf32>,
      %get3A_121 = arith.constant 0 : index
      %get3A_122 = arith.constant 0 : index
      %get3A_123 = vector.load %arg17[%get3A_121, %get3A_122] : memref<64x1xf32, #tpu.memory_space<vmem>>, vector<64x1xf32>
      %add3A_124 = arith.addf %get3A_123, %broadcast_in_dim3A_105 : vector<64x1xf32>
      %swap3A_125 = arith.constant 0 : index
      %swap3A_126 = arith.constant 0 : index
      %swap3A_127 = vector.load %arg17[%swap3A_125, %swap3A_126] : memref<64x1xf32, #tpu.memory_space<vmem>>, vector<64x1xf32>
      tpu.vector_store %arg17[%swap3A_125, %swap3A_126], %add3A_124 {strides = array<i32>} : memref<64x1xf32, #tpu.memory_space<vmem>>, vector<64x1xf32>,
    } else {
    }
    return
  }
  func.func @transform_0(%arg0: i32) -> (i32, i32) {
    %c0_i32 = arith.constant 0 : i32
    %c0_i32_0 = arith.constant 0 : i32
    return %arg0, %c0_i32 : i32, i32
  }
  func.func @transform_1(%arg0: i32) -> (i32, i32) {
    %c0_i32 = arith.constant 0 : i32
    %c0_i32_0 = arith.constant 0 : i32
    return %arg0, %c0_i32 : i32, i32
  }
  func.func @transform_2(%arg0: i32) -> (i32, i32) {
    %c0_i32 = arith.constant 0 : i32
    %c0_i32_0 = arith.constant 0 : i32
    return %arg0, %c0_i32 : i32, i32
  }
  func.func @transform_3(%arg0: i32) -> (i32, i32) {
    %c0_i32 = arith.constant 0 : i32
    %c0_i32_0 = arith.constant 0 : i32
    return %arg0, %c0_i32 : i32, i32
  }
  func.func @transform_4(%arg0: i32) -> (i32, i32) {
    %c0_i32 = arith.constant 0 : i32
    %c0_i32_0 = arith.constant 0 : i32
    return %arg0, %c0_i32 : i32, i32
  }
  func.func @transform_5(%arg0: i32) -> (i32, i32, i32) {
    %c0_i32 = arith.constant 0 : i32
    %c0_i32_0 = arith.constant 0 : i32
    %c0_i32_1 = arith.constant 0 : i32
    return %arg0, %c0_i32, %c0_i32_0 : i32, i32, i32
  }
  func.func @transform_6(%arg0: i32) -> (i32, i32) {
    %c0_i32 = arith.constant 0 : i32
    %c0_i32_0 = arith.constant 0 : i32
    %c0_i32_1 = arith.constant 0 : i32
    return %c0_i32, %c0_i32_0 : i32, i32
  }
  func.func @transform_7(%arg0: i32) -> (i32, i32) {
    %c0_i32 = arith.constant 0 : i32
    %c0_i32_0 = arith.constant 0 : i32
    %c0_i32_1 = arith.constant 0 : i32
    return %c0_i32, %c0_i32_0 : i32, i32
  }
  func.func @transform_8(%arg0: i32) -> (i32, i32) {
    %c0_i32 = arith.constant 0 : i32
    %c0_i32_0 = arith.constant 0 : i32
    %c0_i32_1 = arith.constant 0 : i32
    return %c0_i32, %c0_i32_0 : i32, i32
  }
  func.func @transform_9(%arg0: i32) -> (i32, i32) {
    %c0_i32 = arith.constant 0 : i32
    %c0_i32_0 = arith.constant 0 : i32
    %c0_i32_1 = arith.constant 0 : i32
    return %c0_i32, %c0_i32_0 : i32, i32
  }
  func.func @transform_10(%arg0: i32) -> (i32, i32) {
    %c0_i32 = arith.constant 0 : i32
    %c0_i32_0 = arith.constant 0 : i32
    %c0_i32_1 = arith.constant 0 : i32
    return %c0_i32, %c0_i32_0 : i32, i32
  }
  func.func @transform_11(%arg0: i32) -> (i32, i32) {
    %c0_i32 = arith.constant 0 : i32
    %c0_i32_0 = arith.constant 0 : i32
    %c0_i32_1 = arith.constant 0 : i32
    return %c0_i32, %c0_i32_0 : i32, i32
  }
  func.func @transform_12(%arg0: i32) -> (i32, i32) {
    %c0_i32 = arith.constant 0 : i32
    %c0_i32_0 = arith.constant 0 : i32
    %c0_i32_1 = arith.constant 0 : i32
    return %c0_i32, %c0_i32_0 : i32, i32
  }
  func.func @transform_13(%arg0: i32) -> (i32, i32) {
    %c0_i32 = arith.constant 0 : i32
    %c0_i32_0 = arith.constant 0 : i32
    %c0_i32_1 = arith.constant 0 : i32
    return %c0_i32, %c0_i32_0 : i32, i32
  }
  func.func @transform_14(%arg0: i32) -> (i32, i32) {
    %c0_i32 = arith.constant 0 : i32
    %c0_i32_0 = arith.constant 0 : i32
    return %arg0, %c0_i32 : i32, i32
  }
  func.func @transform_15(%arg0: i32) -> (i32, i32) {
    %c0_i32 = arith.constant 0 : i32
    %c0_i32_0 = arith.constant 0 : i32
    %c0_i32_1 = arith.constant 0 : i32
    return %c0_i32, %c0_i32_0 : i32, i32
  }
  func.func @transform_16(%arg0: i32) -> (i32, i32) {
    %c0_i32 = arith.constant 0 : i32
    %c0_i32_0 = arith.constant 0 : i32
    %c0_i32_1 = arith.constant 0 : i32
    return %c0_i32, %c0_i32_0 : i32, i32
  }
}

module attributes {stable_mosaic.version = 14 : i64} {
  func.func @_glob_body(%arg0: memref<64x32xf32, #tpu.memory_space<vmem>>, %arg1: memref<64x32xf32, #tpu.memory_space<vmem>>, %arg2: memref<64x1xf32, #tpu.memory_space<vmem>>, %arg3: memref<32x32xf32, #tpu.memory_space<vmem>>, %arg4: memref<32x32xf32, #tpu.memory_space<vmem>>, %arg5: memref<1x32xf32, #tpu.memory_space<vmem>>, %arg6: memref<32x32xf32, #tpu.memory_space<vmem>>, %arg7: memref<1x32xf32, #tpu.memory_space<vmem>>, %arg8: memref<1x32xf32, #tpu.memory_space<vmem>>, %arg9: memref<1x32xf32, #tpu.memory_space<vmem>>, %arg10: memref<64x32xf32, #tpu.memory_space<vmem>>) attributes {dimension_semantics = [], scalar_prefetch = 0 : i64, scratch_operands = 0 : i64, tpu.core_type = #tpu.core_type<tc>} {
    %get3A = arith.constant 0 : index
    %get3A_0 = arith.constant 0 : index
    %get3A_1 = vector.load %arg1[%get3A, %get3A_0] : memref<64x32xf32, #tpu.memory_space<vmem>>, vector<64x32xf32>
    %get3A_2 = arith.constant 0 : index
    %get3A_3 = arith.constant 0 : index
    %get3A_4 = vector.load %arg2[%get3A_2, %get3A_3] : memref<64x1xf32, #tpu.memory_space<vmem>>, vector<64x1xf32>
    %max3A = arith.constant 1.000000e+00 : f32
    %max3A_5 = vector.broadcast %max3A : f32 to vector<64x1xf32>
    %max3A_6 = arith.maximumf %get3A_4, %max3A_5 : vector<64x1xf32>
    %div3A = vector.broadcast %max3A_6 : vector<64x1xf32> to vector<64x32xf32>
    %div3A_7 = arith.divf %get3A_1, %div3A : vector<64x32xf32>
    %get3A_8 = arith.constant 0 : index
    %get3A_9 = arith.constant 0 : index
    %get3A_10 = vector.load %arg0[%get3A_8, %get3A_9] : memref<64x32xf32, #tpu.memory_space<vmem>>, vector<64x32xf32>
    %get3A_11 = arith.constant 0 : index
    %get3A_12 = arith.constant 0 : index
    %get3A_13 = vector.load %arg3[%get3A_11, %get3A_12] : memref<32x32xf32, #tpu.memory_space<vmem>>, vector<32x32xf32>
    %dot_general3A = arith.constant dense<0.000000e+00> : vector<64x32xf32>
    %dot_general3A_14 = tpu.matmul %get3A_10, %get3A_13, %dot_general3A {dimension_numbers = #tpu.dot_dimension_numbers<[1], [0], [0], [1], [0, 0, 1, 1], [], []>, transpose_lhs_hint = false} : vector<64x32xf32>, vector<32x32xf32>, vector<64x32xf32> -> vector<64x32xf32>
    %get3A_15 = arith.constant 0 : index
    %get3A_16 = arith.constant 0 : index
    %get3A_17 = vector.load %arg4[%get3A_15, %get3A_16] : memref<32x32xf32, #tpu.memory_space<vmem>>, vector<32x32xf32>
    %dot_general3A_18 = arith.constant dense<0.000000e+00> : vector<64x32xf32>
    %dot_general3A_19 = tpu.matmul %div3A_7, %get3A_17, %dot_general3A_18 {dimension_numbers = #tpu.dot_dimension_numbers<[1], [0], [0], [1], [0, 0, 1, 1], [], []>, transpose_lhs_hint = false} : vector<64x32xf32>, vector<32x32xf32>, vector<64x32xf32> -> vector<64x32xf32>
    %add3A = arith.addf %dot_general3A_14, %dot_general3A_19 : vector<64x32xf32>
    %get3A_20 = arith.constant 0 : index
    %get3A_21 = arith.constant 0 : index
    %get3A_22 = vector.load %arg5[%get3A_20, %get3A_21] : memref<1x32xf32, #tpu.memory_space<vmem>>, vector<1x32xf32>
    %add3A_23 = vector.broadcast %get3A_22 : vector<1x32xf32> to vector<64x32xf32>
    %add3A_24 = arith.addf %add3A, %add3A_23 : vector<64x32xf32>
    %mul3A = arith.constant 5.000000e-01 : f32
    %mul3A_25 = vector.broadcast %mul3A : f32 to vector<64x32xf32>
    %mul3A_26 = arith.mulf %mul3A_25, %add3A_24 : vector<64x32xf32>
    %sqrt3A = arith.constant 2.000000e+00 : f32
    %sqrt3A_27 = math.sqrt %sqrt3A : f32
    %div3A_28 = vector.broadcast %sqrt3A_27 : f32 to vector<64x32xf32>
    %div3A_29 = arith.divf %add3A_24, %div3A_28 : vector<64x32xf32>
    %erf3A = math.erf %div3A_29 : vector<64x32xf32>
    %add3A_30 = arith.constant 1.000000e+00 : f32
    %add3A_31 = vector.broadcast %add3A_30 : f32 to vector<64x32xf32>
    %add3A_32 = arith.addf %add3A_31, %erf3A : vector<64x32xf32>
    %mul3A_33 = arith.mulf %mul3A_26, %add3A_32 : vector<64x32xf32>
    %get3A_34 = arith.constant 0 : index
    %get3A_35 = arith.constant 0 : index
    %get3A_36 = vector.load %arg6[%get3A_34, %get3A_35] : memref<32x32xf32, #tpu.memory_space<vmem>>, vector<32x32xf32>
    %get3A_37 = arith.constant 0 : index
    %get3A_38 = arith.constant 0 : index
    %get3A_39 = vector.load %arg7[%get3A_37, %get3A_38] : memref<1x32xf32, #tpu.memory_space<vmem>>, vector<1x32xf32>
    %get3A_40 = arith.constant 0 : index
    %get3A_41 = arith.constant 0 : index
    %get3A_42 = vector.load %arg8[%get3A_40, %get3A_41] : memref<1x32xf32, #tpu.memory_space<vmem>>, vector<1x32xf32>
    %get3A_43 = arith.constant 0 : index
    %get3A_44 = arith.constant 0 : index
    %get3A_45 = vector.load %arg9[%get3A_43, %get3A_44] : memref<1x32xf32, #tpu.memory_space<vmem>>, vector<1x32xf32>
    %dot_general3A_46 = arith.constant dense<0.000000e+00> : vector<64x32xf32>
    %dot_general3A_47 = tpu.matmul %mul3A_33, %get3A_36, %dot_general3A_46 {dimension_numbers = #tpu.dot_dimension_numbers<[1], [0], [0], [1], [0, 0, 1, 1], [], []>, transpose_lhs_hint = false} : vector<64x32xf32>, vector<32x32xf32>, vector<64x32xf32> -> vector<64x32xf32>
    %add3A_48 = vector.broadcast %get3A_39 : vector<1x32xf32> to vector<64x32xf32>
    %add3A_49 = arith.addf %dot_general3A_47, %add3A_48 : vector<64x32xf32>
    %mul3A_50 = arith.constant 5.000000e-01 : f32
    %mul3A_51 = vector.broadcast %mul3A_50 : f32 to vector<64x32xf32>
    %mul3A_52 = arith.mulf %mul3A_51, %add3A_49 : vector<64x32xf32>
    %sqrt3A_53 = arith.constant 2.000000e+00 : f32
    %sqrt3A_54 = math.sqrt %sqrt3A_53 : f32
    %div3A_55 = vector.broadcast %sqrt3A_54 : f32 to vector<64x32xf32>
    %div3A_56 = arith.divf %add3A_49, %div3A_55 : vector<64x32xf32>
    %erf3A_57 = math.erf %div3A_56 : vector<64x32xf32>
    %add3A_58 = arith.constant 1.000000e+00 : f32
    %add3A_59 = vector.broadcast %add3A_58 : f32 to vector<64x32xf32>
    %add3A_60 = arith.addf %add3A_59, %erf3A_57 : vector<64x32xf32>
    %mul3A_61 = arith.mulf %mul3A_52, %add3A_60 : vector<64x32xf32>
    %reduce_sum3A = arith.constant dense<0.000000e+00> : vector<64xf32>
    %reduce_sum3A_62 = vector.multi_reduction <add>, %mul3A_61, %reduce_sum3A [1] : vector<64x32xf32> to vector<64xf32>
    %broadcast_in_dim3A = vector.shape_cast %reduce_sum3A_62 : vector<64xf32> to vector<64x1xf32>
    %div3A_63 = arith.constant 3.200000e+01 : f32
    %div3A_64 = vector.broadcast %div3A_63 : f32 to vector<64x1xf32>
    %div3A_65 = arith.divf %broadcast_in_dim3A, %div3A_64 : vector<64x1xf32>
    %sub3A = vector.broadcast %div3A_65 : vector<64x1xf32> to vector<64x32xf32>
    %sub3A_66 = arith.subf %mul3A_61, %sub3A : vector<64x32xf32>
    %integer_pow3A = arith.mulf %sub3A_66, %sub3A_66 : vector<64x32xf32>
    %reduce_sum3A_67 = arith.constant dense<0.000000e+00> : vector<64xf32>
    %reduce_sum3A_68 = vector.multi_reduction <add>, %integer_pow3A, %reduce_sum3A_67 [1] : vector<64x32xf32> to vector<64xf32>
    %broadcast_in_dim3A_69 = vector.shape_cast %reduce_sum3A_68 : vector<64xf32> to vector<64x1xf32>
    %div3A_70 = arith.constant 3.200000e+01 : f32
    %div3A_71 = vector.broadcast %div3A_70 : f32 to vector<64x1xf32>
    %div3A_72 = arith.divf %broadcast_in_dim3A_69, %div3A_71 : vector<64x1xf32>
    %sub3A_73 = vector.broadcast %div3A_65 : vector<64x1xf32> to vector<64x32xf32>
    %sub3A_74 = arith.subf %mul3A_61, %sub3A_73 : vector<64x32xf32>
    %add3A_75 = arith.constant 9.99999974E-6 : f32
    %add3A_76 = vector.broadcast %add3A_75 : f32 to vector<64x1xf32>
    %add3A_77 = arith.addf %div3A_72, %add3A_76 : vector<64x1xf32>
    %sqrt3A_78 = math.sqrt %add3A_77 : vector<64x1xf32>
    %div3A_79 = vector.broadcast %sqrt3A_78 : vector<64x1xf32> to vector<64x32xf32>
    %div3A_80 = arith.divf %sub3A_74, %div3A_79 : vector<64x32xf32>
    %mul3A_81 = vector.broadcast %get3A_42 : vector<1x32xf32> to vector<64x32xf32>
    %mul3A_82 = arith.mulf %div3A_80, %mul3A_81 : vector<64x32xf32>
    %add3A_83 = vector.broadcast %get3A_45 : vector<1x32xf32> to vector<64x32xf32>
    %add3A_84 = arith.addf %mul3A_82, %add3A_83 : vector<64x32xf32>
    %swap3A = arith.constant 0 : index
    %swap3A_85 = arith.constant 0 : index
    %swap3A_86 = vector.load %arg10[%swap3A, %swap3A_85] : memref<64x32xf32, #tpu.memory_space<vmem>>, vector<64x32xf32>
    tpu.vector_store %arg10[%swap3A, %swap3A_85], %add3A_84 {strides = array<i32>} : memref<64x32xf32, #tpu.memory_space<vmem>>, vector<64x32xf32>,
    return
  }
}

</mosaic_0001>

<sc_bundles>
// kernel: kernel.11.cloned.1.call-start
scs
__scs_entry_jumppad:
0x0: {  	(pc) =	sbr.rel $0x88, $3  }
0x1: {  	(tag) =	ssettag $0x0;
	lr =	simm.s32 $0x1  }
0x2: {  	[smem:$0x3F84] =	sst lr;
	_ =	strace $0xD0000000  }
0x3: {  	_ = 	snop  }
0x4: {  	_ = 	snop  }
0x5: {  	_ = 	snop  }
0x6: {  	_ = 	snop  }
0x7: {  	_ = 	snop  }
__scs_overlays_trampoline_lowered:
0x8: {  	[smem:$0x3F93] =	sst s0  }
0x9: {  	[smem:$0x3F94] =	sst s1  }
0xa: {  	[smem:$0x3F95] =	sst s2  }
0xb: {  	[smem:$0x3F96] =	sst s3  }
0xc: {  	[smem:$0x3F97] =	sst s4  }
0xd: {  	[smem:$0x3F98] =	sst s5  }
0xe: {  	[smem:$0x3F99] =	sst s6  }
0xf: {  	[smem:$0x3F9A] =	sst s7  }
0x10: {  	[smem:$0x3F9B] =	sst s8  }
0x11: {  	[smem:$0x3F9C] =	sst s9;
	s0 =	simm.s32 @!p0 $0x0  }
0x12: {  	s1 =	sld [smem:$0x3F82];
	s0 =	simm.s32 @p0 $0x1  }
0x13: {  	[smem:$0x3F9D] =	sst s0;
	s0 =	simm.s32 @!p1 $0x0  }
0x14: {  	s2 =	sld [smem:$0x3F81];
	s0 =	simm.s32 @p1 $0x1  }
0x15: {  	[smem:$0x3F9E] =	sst s0;
	s0 =	simm.s32 @!p2 $0x0  }
0x16: {  	s3 =	sld [smem:$0x3FDB];
	s0 =	simm.s32 @p2 $0x1  }
0x17: {  	s4 =	simm.s32 $0x1BF5;
	[smem:$0x3FA0] =	sst s0  }
0x18: {  	s0 =	sld [smem:$0x3F83];
	_ =	swait.ge [sflag:s4], $0x0  }
0x19: {  	s7 =	sld [smem:$0x3F84]  }
0x1a: {  	s8 =	sadd.s32 $0xFFFFE003, lr  }
0x1b: {  	s9 =	sadd.s32 $0xFFFFFEF7, lr;
	s5 =	simm.s32 $0xFFFFFFFF;
	p2 =	slt.u32 s8, $0xFFFFF086  }
0x1c: {  	p1 =	slt.u32 s9, $0xF7A;
	s5 =	simm.s32 @!p2 $0x0  }
0x1d: {  	s5 =	simm.s32 @p1 $0x1;
	p0 =	seq.s32 s7, s2  }
0x1e: {  	s7 =	smul.u32 @!p0 $0xF7A, s2;
	p2 =	seq.s32 @!p0 s5, $0x0  }
0x1f: {  	s9 =	smul.u32 $0xF7A, s1;
	s8 =	simm.s32 @!p0 $0x1BF5;
	p2 =	por !p2, p0  }
0x20: {  	[sflag:s8] =	ssyncset.s32 @!p0 $0xFFFFF086;
	s6 =	sadd.s32 @!p0 s3, s7;
	s7 =	simm.s32 @!p0 $0x108  }
0x21: {  	s3 =	sadd.s32 s3, s9;
	s6 =	sadd.s32 @!p0 $0x88, s6;
	s7 =	simm.s32 @p2 $0x1082  }
0x22: {  	[simem:s7], [sflag:s8] =	dma.local @!p0 [hbm:s6], $0xF7A  }
0x23: {  	s9 =	sor.u32 $0xD0000000, s2;
	s6 =	simm.s32 $0x108;
	_ =	swait.ge @!p0 [sflag:s8], $0x0  }
0x24: {  	s3 =	sadd.s32 $0x88, s3;
	s6 =	simm.s32 @!p1 $0x1082;
	[sflag:s4] =	ssyncset.s32 $0xFFFFF086  }
0x25: {  	[simem:s6], [sflag:s4] =	dma.local [hbm:s3], $0xF7A  }
0x26: {  	[smem:$0x3F84] =	sst s1;
	(tag) =	ssettag s2;
	_ =	strace s9  }
0x27: {  	s1 =	sld [smem:$0x3F94]  }
0x28: {  	s2 =	sld [smem:$0x3F95]  }
0x29: {  	s4 =	sld [smem:$0x3F97]  }
0x2a: {  	p0 =	seq.s32 s5, $0x0;
	s5 =	sld [smem:$0x3F98]  }
0x2b: {  	s6 =	sld [smem:$0x3F99]  }
0x2c: {  	s7 =	sld [smem:$0x3F9A]  }
0x2d: {  	s3 =	simm.s32 $0x108;
	s8 =	sld [smem:$0x3F9B]  }
0x2e: {  	s3 =	simm.s32 @!p0 $0x1082;
	s9 =	sld [smem:$0x3F9C]  }
0x2f: {  	lr =	sadd.s32 s0, s3;
	s0 =	sld [smem:$0x3F93]  }
0x30: {  	s3 =	sld [smem:$0x3F96]  }
0x31: {  	[smem:$0x3F9F] =	sst s10  }
0x32: {  	s10 =	sld [smem:$0x3F9D];
	_ =	sdelay $0x3  }
0x33: {  	p0 =	seq.s32 s10, $0x1;
	s10 =	sld [smem:$0x3F9F];
	_ =	sdelay $0x3  }
0x34: {  	[smem:$0x3F9F] =	sst s10  }
0x35: {  	s10 =	sld [smem:$0x3F9E];
	_ =	sdelay $0x3  }
0x36: {  	p1 =	seq.s32 s10, $0x1;
	s10 =	sld [smem:$0x3F9F];
	_ =	sdelay $0x3  }
0x37: {  	[smem:$0x3F9F] =	sst s10  }
0x38: {  	s10 =	sld [smem:$0x3FA0]  }
0x39: {  	_ = 	snop;
	(pc) =	sbr.ind lr, $3  }
0x3a: {  	_ = 	snop  }
0x3b: {  	_ = 	snop  }
0x3c: {  	p2 =	seq.s32 s10, $0x1;
	s10 =	sld [smem:$0x3F9F]  }
0x3d: {  	_ =	shalt  }
0x3e: {  	_ =	shalt  }
0x3f: {  	_ =	shalt  }
0x40: {  	_ =	shalt  }
0x41: {  	_ =	shalt  }
0x42: {  	_ =	shalt  }
0x43: {  	_ =	shalt  }
0x44: {  	_ =	shalt  }
0x45: {  	_ =	shalt  }
0x46: {  	_ =	shalt  }
0x47: {  	_ =	shalt  }
0x48: {  	_ =	shalt  }
0x49: {  	_ =	shalt  }
0x4a: {  	_ =	shalt  }
0x4b: {  	_ =	shalt  }
0x4c: {  	_ =	shalt  }
0x4d: {  	_ =	shalt  }
0x4e: {  	_ =	shalt  }
0x4f: {  	_ =	shalt  }
0x50: {  	_ =	shalt  }
0x51: {  	_ =	shalt  }
0x52: {  	_ =	shalt  }
0x53: {  	_ =	shalt  }
0x54: {  	_ =	shalt  }
0x55: {  	_ =	shalt  }
0x56: {  	_ =	shalt  }
0x57: {  	_ =	shalt  }
0x58: {  	_ =	shalt  }
0x59: {  	_ =	shalt  }
0x5a: {  	_ =	shalt  }
0x5b: {  	_ =	shalt  }
0x5c: {  	_ =	shalt  }
0x5d: {  	_ =	shalt  }
0x5e: {  	_ =	shalt  }
0x5f: {  	_ =	shalt  }
0x60: {  	_ =	shalt  }
0x61: {  	_ =	shalt  }
0x62: {  	_ =	shalt  }
0x63: {  	_ =	shalt  }
0x64: {  	_ =	shalt  }
0x65: {  	_ =	shalt  }
0x66: {  	_ =	shalt  }
0x67: {  	_ =	shalt  }
0x68: {  	_ =	shalt  }
0x69: {  	_ =	shalt  }
0x6a: {  	_ =	shalt  }
0x6b: {  	_ =	shalt  }
0x6c: {  	_ =	shalt  }
0x6d: {  	_ =	shalt  }
0x6e: {  	_ =	shalt  }
0x6f: {  	_ =	shalt  }
0x70: {  	_ =	shalt  }
0x71: {  	_ =	shalt  }
0x72: {  	_ =	shalt  }
0x73: {  	_ =	shalt  }
0x74: {  	_ =	shalt  }
0x75: {  	_ =	shalt  }
0x76: {  	_ =	shalt  }
0x77: {  	_ =	shalt  }
0x78: {  	_ =	shalt  }
0x79: {  	_ =	shalt  }
0x7a: {  	_ =	shalt  }
0x7b: {  	_ =	shalt  }
0x7c: {  	_ =	shalt  }
0x7d: {  	_ =	shalt  }
0x7e: {  	_ =	shalt  }
0x7f: {  	_ =	shalt  }
0x80: {  	_ =	shalt  }
0x81: {  	_ =	shalt  }
0x82: {  	_ =	shalt  }
0x83: {  	_ =	shalt  }
0x84: {  	_ =	shalt  }
0x85: {  	_ =	shalt  }
0x86: {  	_ =	shalt  }
0x87: {  	_ =	shalt  }
.Lfunc_end0:
.L_simem_size_0:
called_computation.2_lowered:
.L_overlay_start_0:
0x88: {  	s2 =	sld [smem:$0x3FD9]  }
0x89: {  	s3 =	sld [smem:$0x3FFE];
	_ =	sdelay $0x1  }
0x8a: {  	s1 =	srdreg.scid  }
0x8b: {  	s0 =	sand.u32 $0x1, s1  }
0x8c: {  	s14 =	sshll.u32 s0, $0xA;
	s2 =	sadd.s32 s3, s2  }
0x8d: {  	s2 =	sadd.s32 s2, s14  }
0x8e: {  	[smem:$0x3FAB] =	sst s2  }
0x8f: {  	_ = 	snop  }
0x90: {  	s2 =	sld [smem:$0x3FD0];
	_ =	sdelay $0x2  }
0x91: {  	s15 =	simm.s32 $0xB;
	s4 =	simm.s32 $0x10  }
0x92: {  	[smem:s4], [sflag:s15] =	dma.local [hbm:s2], $0x1  }
0x93: {  	_ =	swait.eq [sflag:s15], $0x1  }
0x94: {  	[sflag:s15] =	ssyncset.done $0x0  }
0x95: {  	[sflag:s15] =	ssyncadd.s32 $0xFFFFFFFF  }
0x96: {  	s16 =	sld [smem:$0x10];
	(tm) =	ssettm $0x1  }
0x97: {  	s17 =	sld [smem:$0x3FFB];
	_ =	sdelay $0x3  }
0x98: {  	_ =	strace s17  }
0x99: {  	s3 =	sld [smem:$0x3FFC];
	_ =	sdelay $0x3  }
0x9a: {  	_ =	strace s3  }
0x9b: {  	s3 =	sld [smem:$0x3FFD];
	_ =	sdelay $0x3  }
0x9c: {  	_ =	strace s3  }
0x9d: {  	_ =	strace $0x8FFFFFFF  }
0x9e: {  	s18 =	sld [smem:$0x3FDB];
	_ =	sdelay $0x1  }
0x9f: {  	s19 =	simm.s32 $_scs_section_size  }
0xa0: {  	s5 =	simm.s32 $_size__tile_overlayer_lowered;
	s6 =	simm.s32 $_tile_overlayer_lowered  }
0xa1: {  	s22 =	simm.s32 $0x1BFF;
	s21 =	sshll.u32 s6, $0x1;
	s3 =	sadd.s32 s19, s18  }
0xa2: {  	s7 =	simm.s32 $0x0;
	s20 =	sshll.u32 s5, $0x1;
	s5 =	sadd.s32 s21, s3  }
0xa3: {  	[timem:s7], [sflag:s22] =	dma.local [hbm:s5], s20  }
0xa4: {  	_ =	swait.ge [sflag:s22], s20  }
0xa5: {  	s4 =	ssub.s32 $0x0, s20;
	[sflag:s22] =	ssyncset.done $0x0  }
0xa6: {  	[sflag:s22] =	ssyncadd.s32 s4;
	_ =	sdelay $0x1  }
0xa7: {  	s23 =	simm.s32 $0x1B8B  }
0xa8: {  	_ =	swait.ge [sflag:s23], $0x1  }
0xa9: {  	[sflag:s23] =	ssyncset.done $0x0  }
0xaa: {  	s25 =	simm.s32 $0x1B8E;
	s24 =	sld [smem:$0x3FFE];
	[sflag:s23] =	ssyncadd.s32 $0xFFFFFFFF  }
0xab: {  	s26 =	simm.s32 $execute0_lowered;
	[smem:$0x3FD2] =	sst s25  }
0xac: {  	s5 =	sshll.u32 s26, $0x1;
	_ =	strace $0x80000049;
	[dreg:$0x1] =	wrdreg $0xFFFFFFFF  }
0xad: {  	s28 =	simm.s32 $_size_execute0_lowered;
	s3 =	sadd.s32 s3, s5;
	[dreg:$0x0] =	wrdreg $0x0  }
0xae: {  	s5 =	sshll.u32 s28, $0x1;
	[dreg:$0x2] =	wrdreg s3  }
0xaf: {  	[dreg:$0x3] =	wrdreg s5  }
0xb0: {  	[dreg:$0x4] =	wrdreg $0xC0  }
0xb1: {  	_ =	task [dreg:s7], $0x5FFFF  }
0xb2: {  	[dreg:$0x1] =	wrdreg $0xFFFFFFFF  }
0xb3: {  	[dreg:$0x0] =	wrdreg $0x60  }
0xb4: {  	[dreg:$0x2] =	wrdreg s24  }
0xb5: {  	[dreg:$0x3] =	wrdreg s16  }
0xb6: {  	[dreg:$0x4] =	wrdreg $0x0  }
0xb7: {  	[dreg:$0x5] =	wrdreg $0xA  }
0xb8: {  	_ =	task.clear_ibuf [dreg:s7], $0x6FFFF;
	_ =	strace $0x90000049  }
0xb9: {  	s29 =	simm.s32 $0xA;
	_ =	strace $0x8000004B  }
0xba: {  	_ =	swait.ge [sflag:s29], $0x1  }
0xbb: {  	[sflag:s29] =	ssyncadd.s32 $0xFFFFFFFF  }
0xbc: {  	_ =	strace $0x9000004B  }
0xbd: {  	_ =	sfence  }
0xbe: {  	s30 =	sld [smem:$0x0];
	_ =	sdelay $0x2  }
0xbf: {  	s31 =	sshll.u32 s1, $0xD;
	s1 =	sshrl.u32 s1, $0x2  }
0xc0: {  	s3 =	sand.u32 $0x4000, s31;
	s1 =	sadd.s32 s1, s30  }
0xc1: {  	s0 =	sor.u32 s3, s0;
	s1 =	sshll.u32 s1, $0x11  }
0xc2: {  	s0 =	sor.u32 s1, s0  }
0xc3: {  	s0 =	sadd.s32 $0x8F2B, s0  }
0xc4: {  	[sflag:s0] =	ssyncadd.remote.s32 $0x1  }
0xc5: {  	_ =	sfence.sel $0xFFFF  }
0xc6: {  	[dreg:$0x0] =	wrdreg $0xFFFFFFFF;
	(pc) =	sbr.abs _section_cstart, $3  }
0xc7: {  	[dreg:$0x1] =	wrdreg $0xFFFFFFFF  }
0xc8: {  	_ =	task.clear_ibuf [dreg:s7], $0x2FFFF;
	_ =	strace $0x9FFFFFFF  }
0xc9: {  	(tm) =	ssettm $0x7FFFFFFF  }
tec
execute0_lowered:
.L_overlay_start_1:
0x0: {  	(tag) =	ssettag $0x1  }
0x1: {  	s7 =	rddreg [dreg:$0x0]  }
0x2: {  	s4 =	rddreg [dreg:$0x1]  }
0x3: {  	s2 =	rddreg [dreg:$0x2]  }
0x4: {  	s0 =	rddreg [dreg:$0x3]  }
0x5: {  	s1 =	stileid.u32;
	s5 =	srdreg.scid  }
0x6: {  	s3 =	simm.s32 $0x0;
	s13 =	simm.s32 $0x5C800;
	s15 =	simm.s32 $0x18780  }
0x7: {  	s16 =	simm.s32 $0x19900;
	s17 =	simm.s32 $0x18800;
	s18 =	simm.s32 $0x1A900  }
0x8: {  	s19 =	simm.s32 $0x18880;
	s20 =	simm.s32 $0x1B900;
	s6 =	smul.u32 $0xC400, s1  }
0x9: {  	s21 =	simm.s32 $0x0;
	s5 =	sand.u32 $0x1, s5;
	s9 =	smul.u32 $0x31000, s1  }
0xa: {  	[smem:$0x7FF] =	sst s3;
	s11 =	smul.u32 $0x18700, s1;
	s31 =	sshll.u32 s1, $0x6  }
0xb: {  	s8 =	smul.u32 $0x6200, s5;
	_ =	strace $0x8000004A;
	s26 =	ssub.s32 $0x2, s5  }
0xc: {  	p0 =	seq.s32 s5, $0x1;
	s14 =	smul.u32 $0x18800, s5;
	s5 =	sor.u32 $0x1C01, s31  }
0xd: {  	s10 =	sshrl.u32 s26, $0x1;
	s9 =	sadd.s32 s9, s7;
	s29 =	sadd.s32 s11, s2  }
0xe: {  	s30 =	sshrl.u32 s11, $0x3;
	s13 =	simm.s32 @!p0 $0x18DA00;
	s11 =	simm.s32 $0x1  }
0xf: {  	s6 =	sadd.s32 s8, s6;
	s28 =	ssub.s32 s26, s10;
	s4 =	sadd.s32 s4, s30  }
0x10: {  	s9 =	sadd.s32 s14, s9;
	s10 =	sshrl.u32 s29, $0x3;
	s6 =	sshrl.u32 s6, $0x3  }
0x11: {  	s14 =	simm.s32 $0x80;
	s8 =	sadd.s32 $0xBAF600, s9;
	s12 =	sadd.s32 s6, s7  }
0x12: {  	s6 =	smax.u32 s28, $0x1;
	s7 =	sadd.s32 s13, s7;
	s13 =	simm.s32 $0x18900  }
0x13: {  	s7 =	sadd.s32 s7, s30;
	s9 =	sadd.s32 $0x6A00, s12;
	s12 =	simm.s32 $0x18700  }
.LBB2_1:
0x14: {  	[spmem:s10], [sflag:s5] =	dma.local [hbm:s4], $0x30E0  }
0x15: {  	_ =	swait.ge [sflag:s11], $0x30E0  }
0x16: {  	[sflag:s11] =	ssyncset.done $0x0  }
0x17: {  	[sflag:s11] =	ssyncadd.s32 $0xFFFFCF20  }
0x18: {  	s22 =	sadd.s32 $0x0, s9;
	[bflag:$0x0] =	sbarrier.arrive $0xFFFF  }
0x19: {  	[tilespmem:s12], [sflag:$0x1] =	stream.linear.gather [hbm4b:s22+s3], $0x200, $0x38;
	[tilespmem:$0x1C900] =	vst v63  }
0x1a: {  	_ =	swait.ge [sflag:s11], $0x200  }
0x1b: {  	[sflag:s11] =	ssyncset.done $0x0  }
0x1c: {  	[sflag:s11] =	ssyncadd.s32 $0xFFFFFE00  }
0x1d: {  	[tilespmem:s13], [sflag:$0x1] =	stream.linear.gather [hbm4b:s8+s3], $0x4000, $0x38;
	[tilespmem:$0x1C900] =	vst v63  }
0x1e: {  	_ =	swait.ge [sflag:s11], $0x4000  }
0x1f: {  	[sflag:s11] =	ssyncset.done $0x0  }
0x20: {  	[sflag:s11] =	ssyncadd.s32 $0xFFFFC000  }
0x21: {  	[spmem:s2] =	stream.indirect.scatter.add.f32 [tilespmem:s13], [sflag:$0x1], $0x20, s12, s14, $0xb8;
	[tilespmem:$0x1C900] =	vst v63  }
0x22: {  	_ =	swait.ge [sflag:s11], $0x1000  }
0x23: {  	[sflag:s11] =	ssyncset.done $0x0  }
0x24: {  	[sflag:s11] =	ssyncadd.s32 $0xFFFFF000  }
0x25: {  	[spmem:s2] =	stream.indirect.scatter.add.f32 [tilespmem:s16], [sflag:$0x1], $0x20, s15, s14, $0xb8;
	[tilespmem:$0x1C900] =	vst v63  }
0x26: {  	_ =	swait.ge [sflag:s11], $0x1000  }
0x27: {  	[sflag:s11] =	ssyncset.done $0x0  }
0x28: {  	[sflag:s11] =	ssyncadd.s32 $0xFFFFF000  }
0x29: {  	[spmem:s2] =	stream.indirect.scatter.add.f32 [tilespmem:s18], [sflag:$0x1], $0x20, s17, s14, $0xb8;
	[tilespmem:$0x1C900] =	vst v63  }
0x2a: {  	_ =	swait.ge [sflag:s11], $0x1000  }
0x2b: {  	[sflag:s11] =	ssyncset.done $0x0  }
0x2c: {  	[sflag:s11] =	ssyncadd.s32 $0xFFFFF000  }
0x2d: {  	[spmem:s2] =	stream.indirect.scatter.add.f32 [tilespmem:s20], [sflag:$0x1], $0x20, s19, s14, $0xb8;
	[tilespmem:$0x1C900] =	vst v63  }
0x2e: {  	s23 =	simm.s32 $0x40;
	_ =	swait.ge [sflag:s11], $0x1000  }
0x2f: {  	s24 =	simm.s32 $0x80;
	s22 =	sadd.s32 $0x800, s8;
	[sflag:s11] =	ssyncset.done $0x0  }
.LBB2_2:
0x30: {  	s25 =	sadd.s32 s23, s9  }
0x31: {  	[sflag:s11] =	ssyncadd.s32 $0xFFFFF000;
	s23 =	smov.u32 s24;
	s26 =	sadd.s32 $0x40, s24  }
0x32: {  	[tilespmem:s12], [sflag:$0x1] =	stream.linear.gather [hbm4b:s25+s3], $0x200, $0x38;
	[tilespmem:$0x1C900] =	vst v63  }
0x33: {  	p0 =	sne.s32 s24, $0xC00;
	_ =	swait.ge [sflag:s11], $0x200  }
0x34: {  	[sflag:s11] =	ssyncset.done $0x0  }
0x35: {  	[sflag:s11] =	ssyncadd.s32 $0xFFFFFE00  }
0x36: {  	[tilespmem:s13], [sflag:$0x1] =	stream.linear.gather [hbm4b:s22+s3], $0x4000, $0x38;
	[tilespmem:$0x1C900] =	vst v63  }
0x37: {  	_ =	swait.ge [sflag:s11], $0x4000  }
0x38: {  	[sflag:s11] =	ssyncset.done $0x0  }
0x39: {  	[sflag:s11] =	ssyncadd.s32 $0xFFFFC000  }
0x3a: {  	[spmem:s2] =	stream.indirect.scatter.add.f32 [tilespmem:s13], [sflag:$0x1], $0x20, s12, s14, $0xb8;
	[tilespmem:$0x1C900] =	vst v63  }
0x3b: {  	_ =	swait.ge [sflag:s11], $0x1000  }
0x3c: {  	[sflag:s11] =	ssyncset.done $0x0  }
0x3d: {  	[sflag:s11] =	ssyncadd.s32 $0xFFFFF000  }
0x3e: {  	[spmem:s2] =	stream.indirect.scatter.add.f32 [tilespmem:s16], [sflag:$0x1], $0x20, s15, s14, $0xb8;
	[tilespmem:$0x1C900] =	vst v63  }
0x3f: {  	_ =	swait.ge [sflag:s11], $0x1000  }
0x40: {  	[sflag:s11] =	ssyncset.done $0x0  }
0x41: {  	[sflag:s11] =	ssyncadd.s32 $0xFFFFF000  }
0x42: {  	[spmem:s2] =	stream.indirect.scatter.add.f32 [tilespmem:s18], [sflag:$0x1], $0x20, s17, s14, $0xb8;
	[tilespmem:$0x1C900] =	vst v63  }
0x43: {  	_ =	swait.ge [sflag:s11], $0x1000  }
.Ltmp0:
0x44: {  	[sflag:s11] =	ssyncset.done $0x0;
	(pc) =	sbr.rel @p0 .LBB2_2-.Ltmp0, $4  }
0x45: {  	[sflag:s11] =	ssyncadd.s32 $0xFFFFF000  }
0x46: {  	[spmem:s2] =	stream.indirect.scatter.add.f32 [tilespmem:s20], [sflag:$0x1], $0x20, s19, s14, $0xb8;
	[tilespmem:$0x1C900] =	vst v63  }
0x47: {  	_ =	swait.ge [sflag:s11], $0x1000  }
0x48: {  	s24 =	smov.u32 s26;
	s22 =	sadd.s32 $0x800, s22;
	[sflag:s11] =	ssyncset.done $0x0  }
0x49: {  	s23 =	sadd.s32 s23, s9;
	[sflag:s11] =	ssyncadd.s32 $0xFFFFF000  }
0x4a: {  	[tilespmem:s12], [sflag:$0x1] =	stream.linear.gather [hbm4b:s23+s3], $0x200, $0x38;
	[tilespmem:$0x1C900] =	vst v63  }
0x4b: {  	_ =	swait.ge [sflag:s11], $0x200  }
0x4c: {  	[sflag:s11] =	ssyncset.done $0x0  }
0x4d: {  	[sflag:s11] =	ssyncadd.s32 $0xFFFFFE00  }
0x4e: {  	[tilespmem:s13], [sflag:$0x1] =	stream.linear.gather [hbm4b:s22+s3], $0x4000, $0x38;
	[tilespmem:$0x1C900] =	vst v63  }
0x4f: {  	_ =	swait.ge [sflag:s11], $0x4000  }
0x50: {  	[sflag:s11] =	ssyncset.done $0x0  }
0x51: {  	[sflag:s11] =	ssyncadd.s32 $0xFFFFC000  }
0x52: {  	[spmem:s2] =	stream.indirect.scatter.add.f32 [tilespmem:s13], [sflag:$0x1], $0x20, s12, s14, $0xb8;
	[tilespmem:$0x1C900] =	vst v63  }
0x53: {  	_ =	swait.ge [sflag:s11], $0x1000  }
0x54: {  	[sflag:s11] =	ssyncset.done $0x0  }
0x55: {  	[sflag:s11] =	ssyncadd.s32 $0xFFFFF000  }
0x56: {  	[spmem:s2] =	stream.indirect.scatter.add.f32 [tilespmem:s16], [sflag:$0x1], $0x20, s15, s14, $0xb8;
	[tilespmem:$0x1C900] =	vst v63  }
0x57: {  	_ =	swait.ge [sflag:s11], $0x1000  }
0x58: {  	[sflag:s11] =	ssyncset.done $0x0  }
0x59: {  	[sflag:s11] =	ssyncadd.s32 $0xFFFFF000  }
0x5a: {  	[spmem:s2] =	stream.indirect.scatter.add.f32 [tilespmem:s18], [sflag:$0x1], $0x20, s17, s14, $0xb8;
	[tilespmem:$0x1C900] =	vst v63  }
0x5b: {  	_ =	swait.ge [sflag:s11], $0x1000  }
0x5c: {  	[sflag:s11] =	ssyncset.done $0x0  }
0x5d: {  	[sflag:s11] =	ssyncadd.s32 $0xFFFFF000  }
0x5e: {  	[spmem:s2] =	stream.indirect.scatter.add.f32 [tilespmem:s20], [sflag:$0x1], $0x20, s19, s14, $0xb8;
	[tilespmem:$0x1C900] =	vst v63  }
0x5f: {  	_ =	swait.ge [sflag:s11], $0x1000  }
0x60: {  	s21 =	sadd.s32 $0x1, s21;
	[sflag:s11] =	ssyncset.done $0x0  }
0x61: {  	p0 =	sne.s32 s21, s6;
	[sflag:s11] =	ssyncadd.s32 $0xFFFFF000  }
.Ltmp1:
0x62: {  	[bflag:$0x0] =	sbarrier.arrive $0xFFFF;
	(pc) =	sbr.rel @p0 .LBB2_1-.Ltmp1, $4  }
0x63: {  	[hbm:s7], [sflag:s5] =	dma.local [spmem:s10], $0x30E0  }
0x64: {  	_ =	swait.ge [sflag:s11], $0x30E0  }
0x65: {  	[sflag:s11] =	ssyncset.done $0x0  }
0x66: {  	[sflag:s11] =	ssyncadd.s32 $0xFFFFCF20  }
0x67: {  	_ =	sfence.sel $0x180000  }
0x68: {  	[bflag:$0x0] =	sbarrier.arrive $0xFFFF  }
0x69: {  	p0 =	sne.s32 s1, $0x0;
	_ =	strace $0x9000004A  }
0x6a: {  	s0 =	sadd.s32 @!p0 $0x100000, s0;
	[bflag:$0x2] =	sbarrier.arrive $0xFFFF  }
0x6b: {  	[sflag:s0] =	ssyncadd.tile.s32 @!p0 $0x1;
	_ =	shalt  }
.Lfunc_end2:
_tile_overlayer_lowered:
.L_overlay_start_2:
0x6c: {  	(tag) =	ssettag $0x2  }
0x6d: {  	s0 =	rddreg [dreg:$0x0];
	s2 =	stileid.u32  }
0x6e: {  	s1 =	rddreg [dreg:$0x1];
	p0 =	sne.s32 s2, $0x0  }
0x6f: {  	s3 =	rddreg [dreg:$0x2];
	[bflag:$0x3] =	sbarrier.arrive $0xFFFF;
	s2 =	simm.s32 @!p0 $0x1C01  }
0x70: {  	[timem:s3], [sflag:s2] =	dma.local @!p0 [hbm:s0], s1  }
0x71: {  	s0 =	simm.s32 @!p0 $0x1  }
0x72: {  	_ =	swait.ge @!p0 [sflag:s0], s1  }
0x73: {  	s1 =	ssub.s32 @!p0 $0x0, s1;
	[sflag:s0] =	ssyncset.done @!p0 $0x0  }
0x74: {  	[sflag:s0] =	ssyncadd.s32 @!p0 s1  }
0x75: {  	[bflag:$0x3] =	sbarrier.arrive $0xFFFF  }
0x76: {  	_ =	shalt  }

// kernel: kernel.8.cloned.1.call-start
scs
__scs_entry_jumppad:
0x0: {  	(pc) =	sbr.rel $0x88, $3  }
0x1: {  	(tag) =	ssettag $0x0;
	lr =	simm.s32 $0x1  }
0x2: {  	[smem:$0x3F84] =	sst lr;
	_ =	strace $0xD0000000  }
0x3: {  	_ = 	snop  }
0x4: {  	_ = 	snop  }
0x5: {  	_ = 	snop  }
0x6: {  	_ = 	snop  }
0x7: {  	_ = 	snop  }
__scs_overlays_trampoline_lowered:
0x8: {  	[smem:$0x3F93] =	sst s0  }
0x9: {  	[smem:$0x3F94] =	sst s1  }
0xa: {  	[smem:$0x3F95] =	sst s2  }
0xb: {  	[smem:$0x3F96] =	sst s3  }
0xc: {  	[smem:$0x3F97] =	sst s4  }
0xd: {  	[smem:$0x3F98] =	sst s5  }
0xe: {  	[smem:$0x3F99] =	sst s6  }
0xf: {  	[smem:$0x3F9A] =	sst s7  }
0x10: {  	[smem:$0x3F9B] =	sst s8  }
0x11: {  	[smem:$0x3F9C] =	sst s9;
	s0 =	simm.s32 @!p0 $0x0  }
0x12: {  	s1 =	sld [smem:$0x3F82];
	s0 =	simm.s32 @p0 $0x1  }
0x13: {  	[smem:$0x3F9D] =	sst s0;
	s0 =	simm.s32 @!p1 $0x0  }
0x14: {  	s2 =	sld [smem:$0x3F81];
	s0 =	simm.s32 @p1 $0x1  }
0x15: {  	[smem:$0x3F9E] =	sst s0;
	s0 =	simm.s32 @!p2 $0x0  }
0x16: {  	s3 =	sld [smem:$0x3FDB];
	s0 =	simm.s32 @p2 $0x1  }
0x17: {  	s4 =	simm.s32 $0x1BF5;
	[smem:$0x3FA0] =	sst s0  }
0x18: {  	s0 =	sld [smem:$0x3F83];
	_ =	swait.ge [sflag:s4], $0x0  }
0x19: {  	s7 =	sld [smem:$0x3F84]  }
0x1a: {  	s8 =	sadd.s32 $0xFFFFE003, lr  }
0x1b: {  	s9 =	sadd.s32 $0xFFFFFEF7, lr;
	s5 =	simm.s32 $0xFFFFFFFF;
	p2 =	slt.u32 s8, $0xFFFFF086  }
0x1c: {  	p1 =	slt.u32 s9, $0xF7A;
	s5 =	simm.s32 @!p2 $0x0  }
0x1d: {  	s5 =	simm.s32 @p1 $0x1;
	p0 =	seq.s32 s7, s2  }
0x1e: {  	s7 =	smul.u32 @!p0 $0xF7A, s2;
	p2 =	seq.s32 @!p0 s5, $0x0  }
0x1f: {  	s9 =	smul.u32 $0xF7A, s1;
	s8 =	simm.s32 @!p0 $0x1BF5;
	p2 =	por !p2, p0  }
0x20: {  	[sflag:s8] =	ssyncset.s32 @!p0 $0xFFFFF086;
	s6 =	sadd.s32 @!p0 s3, s7;
	s7 =	simm.s32 @!p0 $0x108  }
0x21: {  	s3 =	sadd.s32 s3, s9;
	s6 =	sadd.s32 @!p0 $0x88, s6;
	s7 =	simm.s32 @p2 $0x1082  }
0x22: {  	[simem:s7], [sflag:s8] =	dma.local @!p0 [hbm:s6], $0xF7A  }
0x23: {  	s9 =	sor.u32 $0xD0000000, s2;
	s6 =	simm.s32 $0x108;
	_ =	swait.ge @!p0 [sflag:s8], $0x0  }
0x24: {  	s3 =	sadd.s32 $0x88, s3;
	s6 =	simm.s32 @!p1 $0x1082;
	[sflag:s4] =	ssyncset.s32 $0xFFFFF086  }
0x25: {  	[simem:s6], [sflag:s4] =	dma.local [hbm:s3], $0xF7A  }
0x26: {  	[smem:$0x3F84] =	sst s1;
	(tag) =	ssettag s2;
	_ =	strace s9  }
0x27: {  	s1 =	sld [smem:$0x3F94]  }
0x28: {  	s2 =	sld [smem:$0x3F95]  }
0x29: {  	s4 =	sld [smem:$0x3F97]  }
0x2a: {  	p0 =	seq.s32 s5, $0x0;
	s5 =	sld [smem:$0x3F98]  }
0x2b: {  	s6 =	sld [smem:$0x3F99]  }
0x2c: {  	s7 =	sld [smem:$0x3F9A]  }
0x2d: {  	s3 =	simm.s32 $0x108;
	s8 =	sld [smem:$0x3F9B]  }
0x2e: {  	s3 =	simm.s32 @!p0 $0x1082;
	s9 =	sld [smem:$0x3F9C]  }
0x2f: {  	lr =	sadd.s32 s0, s3;
	s0 =	sld [smem:$0x3F93]  }
0x30: {  	s3 =	sld [smem:$0x3F96]  }
0x31: {  	[smem:$0x3F9F] =	sst s10  }
0x32: {  	s10 =	sld [smem:$0x3F9D];
	_ =	sdelay $0x3  }
0x33: {  	p0 =	seq.s32 s10, $0x1;
	s10 =	sld [smem:$0x3F9F];
	_ =	sdelay $0x3  }
0x34: {  	[smem:$0x3F9F] =	sst s10  }
0x35: {  	s10 =	sld [smem:$0x3F9E];
	_ =	sdelay $0x3  }
0x36: {  	p1 =	seq.s32 s10, $0x1;
	s10 =	sld [smem:$0x3F9F];
	_ =	sdelay $0x3  }
0x37: {  	[smem:$0x3F9F] =	sst s10  }
0x38: {  	s10 =	sld [smem:$0x3FA0]  }
0x39: {  	_ = 	snop;
	(pc) =	sbr.ind lr, $3  }
0x3a: {  	_ = 	snop  }
0x3b: {  	_ = 	snop  }
0x3c: {  	p2 =	seq.s32 s10, $0x1;
	s10 =	sld [smem:$0x3F9F]  }
0x3d: {  	_ =	shalt  }
0x3e: {  	_ =	shalt  }
0x3f: {  	_ =	shalt  }
0x40: {  	_ =	shalt  }
0x41: {  	_ =	shalt  }
0x42: {  	_ =	shalt  }
0x43: {  	_ =	shalt  }
0x44: {  	_ =	shalt  }
0x45: {  	_ =	shalt  }
0x46: {  	_ =	shalt  }
0x47: {  	_ =	shalt  }
0x48: {  	_ =	shalt  }
0x49: {  	_ =	shalt  }
0x4a: {  	_ =	shalt  }
0x4b: {  	_ =	shalt  }
0x4c: {  	_ =	shalt  }
0x4d: {  	_ =	shalt  }
0x4e: {  	_ =	shalt  }
0x4f: {  	_ =	shalt  }
0x50: {  	_ =	shalt  }
0x51: {  	_ =	shalt  }
0x52: {  	_ =	shalt  }
0x53: {  	_ =	shalt  }
0x54: {  	_ =	shalt  }
0x55: {  	_ =	shalt  }
0x56: {  	_ =	shalt  }
0x57: {  	_ =	shalt  }
0x58: {  	_ =	shalt  }
0x59: {  	_ =	shalt  }
0x5a: {  	_ =	shalt  }
0x5b: {  	_ =	shalt  }
0x5c: {  	_ =	shalt  }
0x5d: {  	_ =	shalt  }
0x5e: {  	_ =	shalt  }
0x5f: {  	_ =	shalt  }
0x60: {  	_ =	shalt  }
0x61: {  	_ =	shalt  }
0x62: {  	_ =	shalt  }
0x63: {  	_ =	shalt  }
0x64: {  	_ =	shalt  }
0x65: {  	_ =	shalt  }
0x66: {  	_ =	shalt  }
0x67: {  	_ =	shalt  }
0x68: {  	_ =	shalt  }
0x69: {  	_ =	shalt  }
0x6a: {  	_ =	shalt  }
0x6b: {  	_ =	shalt  }
0x6c: {  	_ =	shalt  }
0x6d: {  	_ =	shalt  }
0x6e: {  	_ =	shalt  }
0x6f: {  	_ =	shalt  }
0x70: {  	_ =	shalt  }
0x71: {  	_ =	shalt  }
0x72: {  	_ =	shalt  }
0x73: {  	_ =	shalt  }
0x74: {  	_ =	shalt  }
0x75: {  	_ =	shalt  }
0x76: {  	_ =	shalt  }
0x77: {  	_ =	shalt  }
0x78: {  	_ =	shalt  }
0x79: {  	_ =	shalt  }
0x7a: {  	_ =	shalt  }
0x7b: {  	_ =	shalt  }
0x7c: {  	_ =	shalt  }
0x7d: {  	_ =	shalt  }
0x7e: {  	_ =	shalt  }
0x7f: {  	_ =	shalt  }
0x80: {  	_ =	shalt  }
0x81: {  	_ =	shalt  }
0x82: {  	_ =	shalt  }
0x83: {  	_ =	shalt  }
0x84: {  	_ =	shalt  }
0x85: {  	_ =	shalt  }
0x86: {  	_ =	shalt  }
0x87: {  	_ =	shalt  }
.Lfunc_end0:
.L_simem_size_0:
called_computation.1_lowered:
.L_overlay_start_0:
0x88: {  	s2 =	sld [smem:$0x3FD9]  }
0x89: {  	s3 =	sld [smem:$0x3FFE];
	_ =	sdelay $0x1  }
0x8a: {  	s1 =	srdreg.scid  }
0x8b: {  	s0 =	sand.u32 $0x1, s1  }
0x8c: {  	s14 =	sshll.u32 s0, $0xA;
	s2 =	sadd.s32 s3, s2  }
0x8d: {  	s2 =	sadd.s32 s2, s14  }
0x8e: {  	[smem:$0x3FAB] =	sst s2  }
0x8f: {  	_ = 	snop  }
0x90: {  	s2 =	sld [smem:$0x3FD0];
	_ =	sdelay $0x2  }
0x91: {  	s15 =	simm.s32 $0xB;
	s4 =	simm.s32 $0x10  }
0x92: {  	[smem:s4], [sflag:s15] =	dma.local [hbm:s2], $0x1  }
0x93: {  	_ =	swait.eq [sflag:s15], $0x1  }
0x94: {  	[sflag:s15] =	ssyncset.done $0x0  }
0x95: {  	[sflag:s15] =	ssyncadd.s32 $0xFFFFFFFF  }
0x96: {  	s16 =	sld [smem:$0x10];
	(tm) =	ssettm $0x1  }
0x97: {  	s17 =	sld [smem:$0x3FFB];
	_ =	sdelay $0x3  }
0x98: {  	_ =	strace s17  }
0x99: {  	s3 =	sld [smem:$0x3FFC];
	_ =	sdelay $0x3  }
0x9a: {  	_ =	strace s3  }
0x9b: {  	s3 =	sld [smem:$0x3FFD];
	_ =	sdelay $0x3  }
0x9c: {  	_ =	strace s3  }
0x9d: {  	_ =	strace $0x8FFFFFFF  }
0x9e: {  	s18 =	sld [smem:$0x3FDB];
	_ =	sdelay $0x1  }
0x9f: {  	s19 =	simm.s32 $_scs_section_size  }
0xa0: {  	s5 =	simm.s32 $_size__tile_overlayer_lowered;
	s6 =	simm.s32 $_tile_overlayer_lowered  }
0xa1: {  	s22 =	simm.s32 $0x1BFF;
	s21 =	sshll.u32 s6, $0x1;
	s3 =	sadd.s32 s19, s18  }
0xa2: {  	s7 =	simm.s32 $0x0;
	s20 =	sshll.u32 s5, $0x1;
	s5 =	sadd.s32 s21, s3  }
0xa3: {  	[timem:s7], [sflag:s22] =	dma.local [hbm:s5], s20  }
0xa4: {  	_ =	swait.ge [sflag:s22], s20  }
0xa5: {  	s4 =	ssub.s32 $0x0, s20;
	[sflag:s22] =	ssyncset.done $0x0  }
0xa6: {  	[sflag:s22] =	ssyncadd.s32 s4;
	_ =	sdelay $0x1  }
0xa7: {  	s23 =	simm.s32 $0x1B8B  }
0xa8: {  	_ =	swait.ge [sflag:s23], $0x1  }
0xa9: {  	[sflag:s23] =	ssyncset.done $0x0  }
0xaa: {  	s25 =	simm.s32 $0x1B8E;
	s24 =	sld [smem:$0x3FFE];
	[sflag:s23] =	ssyncadd.s32 $0xFFFFFFFF  }
0xab: {  	s26 =	simm.s32 $execute0_lowered;
	[smem:$0x3FD2] =	sst s25  }
0xac: {  	s5 =	sshll.u32 s26, $0x1;
	_ =	strace $0x80000046;
	[dreg:$0x1] =	wrdreg $0xFFFFFFFF  }
0xad: {  	s28 =	simm.s32 $_size_execute0_lowered;
	s3 =	sadd.s32 s3, s5;
	[dreg:$0x0] =	wrdreg $0x0  }
0xae: {  	s5 =	sshll.u32 s28, $0x1;
	[dreg:$0x2] =	wrdreg s3  }
0xaf: {  	[dreg:$0x3] =	wrdreg s5  }
0xb0: {  	[dreg:$0x4] =	wrdreg $0xC0  }
0xb1: {  	_ =	task [dreg:s7], $0x5FFFF  }
0xb2: {  	[dreg:$0x1] =	wrdreg $0xFFFFFFFF  }
0xb3: {  	[dreg:$0x0] =	wrdreg $0x60  }
0xb4: {  	[dreg:$0x2] =	wrdreg s16  }
0xb5: {  	[dreg:$0x3] =	wrdreg s24  }
0xb6: {  	[dreg:$0x4] =	wrdreg $0x0  }
0xb7: {  	[dreg:$0x5] =	wrdreg $0x9  }
0xb8: {  	_ =	task.clear_ibuf [dreg:s7], $0x6FFFF;
	_ =	strace $0x90000046  }
0xb9: {  	s29 =	simm.s32 $0x9;
	_ =	strace $0x80000048  }
0xba: {  	_ =	swait.ge [sflag:s29], $0x1  }
0xbb: {  	[sflag:s29] =	ssyncadd.s32 $0xFFFFFFFF  }
0xbc: {  	_ =	strace $0x90000048  }
0xbd: {  	_ =	sfence  }
0xbe: {  	s30 =	sld [smem:$0x0];
	_ =	sdelay $0x2  }
0xbf: {  	s31 =	sshll.u32 s1, $0xD;
	s1 =	sshrl.u32 s1, $0x2  }
0xc0: {  	s3 =	sand.u32 $0x4000, s31;
	s1 =	sadd.s32 s1, s30  }
0xc1: {  	s0 =	sor.u32 s3, s0;
	s1 =	sshll.u32 s1, $0x11  }
0xc2: {  	s0 =	sor.u32 s1, s0  }
0xc3: {  	s0 =	sadd.s32 $0x8F2B, s0  }
0xc4: {  	[sflag:s0] =	ssyncadd.remote.s32 $0x1  }
0xc5: {  	_ =	sfence.sel $0xFFFF  }
0xc6: {  	[dreg:$0x0] =	wrdreg $0xFFFFFFFF;
	(pc) =	sbr.abs _section_cstart, $3  }
0xc7: {  	[dreg:$0x1] =	wrdreg $0xFFFFFFFF  }
0xc8: {  	_ =	task.clear_ibuf [dreg:s7], $0x2FFFF;
	_ =	strace $0x9FFFFFFF  }
0xc9: {  	(tm) =	ssettm $0x7FFFFFFF  }
tec
execute0_lowered:
.L_overlay_start_1:
0x0: {  	(tag) =	ssettag $0x1  }
0x1: {  	s2 =	rddreg [dreg:$0x0]  }
0x2: {  	s0 =	srdreg.scid;
	s6 =	rddreg [dreg:$0x1]  }
0x3: {  	s12 =	stileid.u32;
	s3 =	rddreg [dreg:$0x2]  }
0x4: {  	s4 =	simm.s32 $0x0;
	s14 =	simm.s32 $0x2;
	s15 =	simm.s32 $0xE5C0  }
0x5: {  	s16 =	simm.s32 $0x61C0;
	s17 =	simm.s32 $0x63C0;
	s26 =	simm.s32 $0x75C0  }
0x6: {  	s28 =	simm.s32 $0xC5C0;
	s29 =	simm.s32 $0x6340;
	s1 =	smul.u32 $0xC400, s12  }
0x7: {  	s30 =	simm.s32 $0x95C0;
	s31 =	simm.s32 $0x6540;
	s7 =	smul.u32 $0x61C0, s12  }
0x8: {  	s0 =	sand.u32 $0x1, s0;
	[smem:$0x7FF] =	sst s4;
	s9 =	smul.u32 $0x31000, s12  }
0x9: {  	s11 =	sadd.s32 $0x43E00, s6;
	s21 =	sshll.u32 s12, $0x6;
	s5 =	smul.u32 $0x6200, s0  }
0xa: {  	_ =	strace $0x80000047;
	s10 =	ssub.s32 $0x2, s0;
	[dreg:$0x7] =	wrdreg s11  }
0xb: {  	s22 =	smul.u32 $0x18800, s0;
	p0 =	seq.s32 s0, $0x1;
	s0 =	simm.s32 $0x50400  }
0xc: {  	[dreg:$0x6] =	wrdreg s26;
	s26 =	simm.s32 $0x64C0;
	s8 =	sshrl.u32 s7, $0x3  }
0xd: {  	s18 =	sshrl.u32 s10, $0x1;
	s7 =	sadd.s32 s7, s3;
	s0 =	simm.s32 @!p0 $0x44000  }
0xe: {  	s1 =	sadd.s32 s5, s1;
	s5 =	sadd.s32 $0x18DC00, s6;
	s8 =	sadd.s32 s8, s6  }
0xf: {  	s19 =	ssub.s32 s10, s18;
	s10 =	sor.u32 $0x1C02, s21;
	s18 =	simm.s32 $0x80  }
0x10: {  	s21 =	simm.s32 $0x6240;
	s1 =	sshrl.u32 s1, $0x3;
	s20 =	sadd.s32 $0x37A00, s8  }
0x11: {  	s0 =	sadd.s32 s0, s8;
	s8 =	sshrl.u32 s7, $0x3;
	[dreg:$0x8] =	wrdreg s20  }
0x12: {  	s1 =	sadd.s32 s1, s6;
	s6 =	sadd.s32 s9, s6;
	[dreg:$0xa] =	wrdreg s0  }
0x13: {  	s9 =	smax.u32 s19, $0x1;
	s19 =	simm.s32 $0x65C0;
	[dreg:$0xd] =	wrdreg s8  }
0x14: {  	s20 =	simm.s32 $0xA5C0;
	s0 =	simm.s32 $0x1;
	[dreg:$0x9] =	wrdreg s9  }
0x15: {  	s6 =	sadd.s32 s22, s6;
	s24 =	sadd.s32 $0x1F200, s1;
	s25 =	sadd.s32 $0x6A00, s1  }
0x16: {  	s22 =	simm.s32 $0x6440;
	s1 =	simm.s32 $0xD5C0;
	[dreg:$0x4] =	wrdreg s24  }
0x17: {  	s23 =	sadd.s32 $0x592200, s6;
	s6 =	sadd.s32 $0x282200, s6;
	[dreg:$0x5] =	wrdreg s25  }
0x18: {  	s24 =	simm.s32 $0x62C0;
	s25 =	simm.s32 $0x85C0;
	[dreg:$0xb] =	wrdreg s23  }
0x19: {  	[dreg:$0xc] =	wrdreg s6;
	s23 =	simm.s32 $0xB5C0;
	s6 =	simm.s32 $0x0  }
.LBB2_1:
0x1a: {  	s7 =	rddreg [dreg:$0x8]  }
0x1b: {  	[spmem:s8], [sflag:s10] =	dma.local [hbm:s7], $0xC38  }
0x1c: {  	_ =	swait.ge [sflag:s14], $0xC38  }
0x1d: {  	[sflag:s14] =	ssyncset.done $0x0  }
0x1e: {  	s9 =	rddreg [dreg:$0x7];
	[sflag:s14] =	ssyncadd.s32 $0xFFFFF3C8  }
0x1f: {  	[tilespmem:s15], [sflag:$0x2] =	stream.linear.gather [hbm4b:s9+s4], $0x400, $0x38;
	[tilespmem:$0xE9C0] =	vst v63  }
0x20: {  	_ =	swait.ge [sflag:s14], $0x400  }
0x21: {  	[sflag:s14] =	ssyncset.done $0x0  }
0x22: {  	[sflag:s14] =	ssyncadd.s32 $0xFFFFFC00  }
0x23: {  	[bflag:$0x0] =	sbarrier.arrive $0xFFFF  }
0x24: {  	s13 =	smov.u32 s10;
	s10 =	rddreg [dreg:$0x5]  }
0x25: {  	s7 =	sadd.s32 $0x0, s10  }
0x26: {  	[tilespmem:s16], [sflag:$0x2] =	stream.linear.gather [hbm4b:s7+s4], $0x200, $0x38;
	[tilespmem:$0xE9C0] =	vst v63  }
0x27: {  	_ =	swait.ge [sflag:s14], $0x200  }
0x28: {  	s11 =	rddreg [dreg:$0x4];
	[sflag:s14] =	ssyncset.done $0x0  }
0x29: {  	[sflag:s14] =	ssyncadd.s32 $0xFFFFFE00;
	s7 =	sadd.s32 $0x0, s11  }
0x2a: {  	[tilespmem:s17], [sflag:$0x2] =	stream.linear.gather [hbm4b:s7+s4], $0x200, $0x38;
	[tilespmem:$0xE9C0] =	vst v63  }
0x2b: {  	_ =	swait.ge [sflag:s14], $0x200  }
0x2c: {  	[sflag:s14] =	ssyncset.done $0x0  }
0x2d: {  	[sflag:s14] =	ssyncadd.s32 $0xFFFFFE00  }
0x2e: {  	[tilespmem:s19], [sflag:$0x1] =	stream.indirect.gather [hbm4b:s2+s18], $0x20, s16, s18, $0xb8;
	[tilespmem:$0xE9C0] =	vst v63  }
0x2f: {  	_ = 	snop  }
0x30: {  	[tilespmem:s20], [sflag:$0x1] =	stream.indirect.gather [hbm4b:s5+s18], $0x20, s17, s18, $0xb8;
	[tilespmem:$0xE9C0] =	vst v63  }
0x31: {  	s12 =	rddreg [dreg:$0x6]  }
0x32: {  	[tilespmem:s12], [sflag:$0x1] =	stream.indirect.gather [hbm4b:s2+s18], $0x20, s21, s18, $0xb8;
	[tilespmem:$0xE9C0] =	vst v63  }
0x33: {  	_ = 	snop  }
0x34: {  	[tilespmem:s23], [sflag:$0x1] =	stream.indirect.gather [hbm4b:s5+s18], $0x20, s22, s18, $0xb8;
	[tilespmem:$0xE9C0] =	vst v63  }
0x35: {  	_ = 	snop  }
0x36: {  	[tilespmem:s25], [sflag:$0x1] =	stream.indirect.gather [hbm4b:s2+s18], $0x20, s24, s18, $0xb8;
	[tilespmem:$0xE9C0] =	vst v63  }
0x37: {  	_ = 	snop  }
0x38: {  	[tilespmem:s28], [sflag:$0x1] =	stream.indirect.gather [hbm4b:s5+s18], $0x20, s26, s18, $0xb8;
	[tilespmem:$0xE9C0] =	vst v63  }
0x39: {  	_ = 	snop  }
0x3a: {  	[tilespmem:s30], [sflag:$0x1] =	stream.indirect.gather [hbm4b:s2+s18], $0x20, s29, s18, $0xb8;
	[tilespmem:$0xE9C0] =	vst v63  }
0x3b: {  	_ = 	snop  }
0x3c: {  	[tilespmem:s1], [sflag:$0x1] =	stream.indirect.gather [hbm4b:s5+s18], $0x20, s31, s18, $0xb8;
	[tilespmem:$0xE9C0] =	vst v63  }
0x3d: {  	_ = 	snop  }
0x3e: {  	[spmem:s3] =	stream.indirect.scatter.add.f32 [tilespmem:s15], [sflag:$0x2], $0x8, s16, s18, $0xb8;
	[tilespmem:$0xE9C0] =	vst v63  }
0x3f: {  	_ =	swait.ge [sflag:s14], $0x400  }
0x40: {  	[sflag:s14] =	ssyncset.done $0x0  }
0x41: {  	[sflag:s14] =	ssyncadd.s32 $0xFFFFFC00  }
0x42: {  	[spmem:s3] =	stream.indirect.scatter.add.f32 [tilespmem:s15], [sflag:$0x2], $0x8, s21, s18, $0xb8;
	[tilespmem:$0xE9C0] =	vst v63  }
0x43: {  	_ =	swait.ge [sflag:s14], $0x400  }
0x44: {  	[sflag:s14] =	ssyncset.done $0x0  }
0x45: {  	[sflag:s14] =	ssyncadd.s32 $0xFFFFFC00  }
0x46: {  	[spmem:s3] =	stream.indirect.scatter.add.f32 [tilespmem:s15], [sflag:$0x2], $0x8, s24, s18, $0xb8;
	[tilespmem:$0xE9C0] =	vst v63  }
0x47: {  	_ =	swait.ge [sflag:s14], $0x400  }
0x48: {  	[sflag:s14] =	ssyncset.done $0x0  }
0x49: {  	[sflag:s14] =	ssyncadd.s32 $0xFFFFFC00  }
0x4a: {  	[spmem:s3] =	stream.indirect.scatter.add.f32 [tilespmem:s15], [sflag:$0x2], $0x8, s29, s18, $0xb8;
	[tilespmem:$0xE9C0] =	vst v63  }
0x4b: {  	_ =	swait.ge [sflag:s14], $0x400  }
0x4c: {  	[sflag:s14] =	ssyncset.done $0x0  }
0x4d: {  	[sflag:s14] =	ssyncadd.s32 $0xFFFFFC00  }
0x4e: {  	_ =	swait.ge [sflag:s0], $0x1000  }
0x4f: {  	[sflag:s0] =	ssyncset.done $0x0  }
0x50: {  	[sflag:s0] =	ssyncadd.s32 $0xFFFFF000  }
0x51: {  	_ =	swait.ge [sflag:s0], $0x1000  }
0x52: {  	[sflag:s0] =	ssyncset.done $0x0  }
0x53: {  	[sflag:s0] =	ssyncadd.s32 $0xFFFFF000  }
0x54: {  	_ =	swait.ge [sflag:s0], $0x1000  }
0x55: {  	[sflag:s0] =	ssyncset.done $0x0  }
0x56: {  	[sflag:s0] =	ssyncadd.s32 $0xFFFFF000  }
0x57: {  	_ =	swait.ge [sflag:s0], $0x1000  }
0x58: {  	[sflag:s0] =	ssyncset.done $0x0  }
0x59: {  	[sflag:s0] =	ssyncadd.s32 $0xFFFFF000  }
0x5a: {  	_ =	swait.ge [sflag:s0], $0x1000  }
0x5b: {  	[sflag:s0] =	ssyncset.done $0x0  }
0x5c: {  	[sflag:s0] =	ssyncadd.s32 $0xFFFFF000  }
0x5d: {  	_ =	swait.ge [sflag:s0], $0x1000  }
0x5e: {  	[sflag:s0] =	ssyncset.done $0x0  }
0x5f: {  	[sflag:s0] =	ssyncadd.s32 $0xFFFFF000  }
0x60: {  	_ =	swait.ge [sflag:s0], $0x1000  }
0x61: {  	[sflag:s0] =	ssyncset.done $0x0  }
0x62: {  	[sflag:s0] =	ssyncadd.s32 $0xFFFFF000  }
0x63: {  	_ =	swait.ge [sflag:s0], $0x1000  }
0x64: {  	[sflag:s0] =	ssyncset.done $0x0  }
0x65: {  	s12 =	rddreg [dreg:$0xc];
	[sflag:s0] =	ssyncadd.s32 $0xFFFFF000  }
0x66: {  	[hbm4b:s12+s4] =	stream.linear.scatter [tilespmem:s19], [sflag:$0x2], $0x4000, $0x38;
	[tilespmem:$0xE9C0] =	vst v63  }
0x67: {  	_ =	swait.ge [sflag:s14], $0x4000  }
0x68: {  	[sflag:s14] =	ssyncset.done $0x0  }
0x69: {  	s11 =	rddreg [dreg:$0xb];
	[sflag:s14] =	ssyncadd.s32 $0xFFFFC000  }
0x6a: {  	[hbm4b:s11+s4] =	stream.linear.scatter [tilespmem:s20], [sflag:$0x2], $0x4000, $0x38;
	[tilespmem:$0xE9C0] =	vst v63  }
0x6b: {  	s8 =	simm.s32 $0x80;
	_ =	swait.ge [sflag:s14], $0x4000  }
0x6c: {  	s10 =	simm.s32 $0x40;
	s7 =	rddreg [dreg:$0x5];
	[sflag:s14] =	ssyncset.done $0x0  }
.LBB2_2:
0x6d: {  	[sflag:s14] =	ssyncadd.s32 $0xFFFFC000;
	s7 =	sadd.s32 s10, s7  }
0x6e: {  	[tilespmem:s16], [sflag:$0x2] =	stream.linear.gather [hbm4b:s7+s4], $0x200, $0x38;
	[tilespmem:$0xE9C0] =	vst v63  }
0x6f: {  	_ =	swait.ge [sflag:s14], $0x200  }
0x70: {  	s7 =	rddreg [dreg:$0x4];
	[sflag:s14] =	ssyncset.done $0x0  }
0x71: {  	[sflag:s14] =	ssyncadd.s32 $0xFFFFFE00;
	s7 =	sadd.s32 s10, s7  }
0x72: {  	[tilespmem:s17], [sflag:$0x2] =	stream.linear.gather [hbm4b:s7+s4], $0x200, $0x38;
	[tilespmem:$0xE9C0] =	vst v63  }
0x73: {  	_ =	swait.ge [sflag:s14], $0x200  }
0x74: {  	[sflag:s14] =	ssyncset.done $0x0  }
0x75: {  	[sflag:s14] =	ssyncadd.s32 $0xFFFFFE00  }
0x76: {  	[tilespmem:s19], [sflag:$0x1] =	stream.indirect.gather [hbm4b:s2+s18], $0x20, s16, s18, $0xb8;
	[tilespmem:$0xE9C0] =	vst v63  }
0x77: {  	s9 =	smov.u32 s8  }
0x78: {  	[tilespmem:s20], [sflag:$0x1] =	stream.indirect.gather [hbm4b:s5+s18], $0x20, s17, s18, $0xb8;
	[tilespmem:$0xE9C0] =	vst v63  }
0x79: {  	s10 =	smov.u32 s9;
	s9 =	rddreg [dreg:$0x6]  }
0x7a: {  	[tilespmem:s9], [sflag:$0x1] =	stream.indirect.gather [hbm4b:s2+s18], $0x20, s21, s18, $0xb8;
	[tilespmem:$0xE9C0] =	vst v63  }
0x7b: {  	_ = 	snop  }
0x7c: {  	[tilespmem:s23], [sflag:$0x1] =	stream.indirect.gather [hbm4b:s5+s18], $0x20, s22, s18, $0xb8;
	[tilespmem:$0xE9C0] =	vst v63  }
0x7d: {  	_ = 	snop  }
0x7e: {  	[tilespmem:s25], [sflag:$0x1] =	stream.indirect.gather [hbm4b:s2+s18], $0x20, s24, s18, $0xb8;
	[tilespmem:$0xE9C0] =	vst v63  }
0x7f: {  	_ = 	snop  }
0x80: {  	[tilespmem:s28], [sflag:$0x1] =	stream.indirect.gather [hbm4b:s5+s18], $0x20, s26, s18, $0xb8;
	[tilespmem:$0xE9C0] =	vst v63  }
0x81: {  	_ = 	snop  }
0x82: {  	[tilespmem:s30], [sflag:$0x1] =	stream.indirect.gather [hbm4b:s2+s18], $0x20, s29, s18, $0xb8;
	[tilespmem:$0xE9C0] =	vst v63  }
0x83: {  	_ = 	snop  }
0x84: {  	[tilespmem:s1], [sflag:$0x1] =	stream.indirect.gather [hbm4b:s5+s18], $0x20, s31, s18, $0xb8;
	[tilespmem:$0xE9C0] =	vst v63  }
0x85: {  	_ = 	snop  }
0x86: {  	[spmem:s3] =	stream.indirect.scatter.add.f32 [tilespmem:s15], [sflag:$0x2], $0x8, s16, s18, $0xb8;
	[tilespmem:$0xE9C0] =	vst v63  }
0x87: {  	_ =	swait.ge [sflag:s14], $0x400  }
0x88: {  	[sflag:s14] =	ssyncset.done $0x0  }
0x89: {  	[sflag:s14] =	ssyncadd.s32 $0xFFFFFC00  }
0x8a: {  	[spmem:s3] =	stream.indirect.scatter.add.f32 [tilespmem:s15], [sflag:$0x2], $0x8, s21, s18, $0xb8;
	[tilespmem:$0xE9C0] =	vst v63  }
0x8b: {  	_ =	swait.ge [sflag:s14], $0x400  }
0x8c: {  	[sflag:s14] =	ssyncset.done $0x0  }
0x8d: {  	[sflag:s14] =	ssyncadd.s32 $0xFFFFFC00  }
0x8e: {  	[spmem:s3] =	stream.indirect.scatter.add.f32 [tilespmem:s15], [sflag:$0x2], $0x8, s24, s18, $0xb8;
	[tilespmem:$0xE9C0] =	vst v63  }
0x8f: {  	_ =	swait.ge [sflag:s14], $0x400  }
0x90: {  	[sflag:s14] =	ssyncset.done $0x0  }
0x91: {  	[sflag:s14] =	ssyncadd.s32 $0xFFFFFC00  }
0x92: {  	[spmem:s3] =	stream.indirect.scatter.add.f32 [tilespmem:s15], [sflag:$0x2], $0x8, s29, s18, $0xb8;
	[tilespmem:$0xE9C0] =	vst v63  }
0x93: {  	_ =	swait.ge [sflag:s14], $0x400  }
0x94: {  	[sflag:s14] =	ssyncset.done $0x0  }
0x95: {  	[sflag:s14] =	ssyncadd.s32 $0xFFFFFC00  }
0x96: {  	_ =	swait.ge [sflag:s0], $0x1000  }
0x97: {  	[sflag:s0] =	ssyncset.done $0x0  }
0x98: {  	[sflag:s0] =	ssyncadd.s32 $0xFFFFF000  }
0x99: {  	_ =	swait.ge [sflag:s0], $0x1000  }
0x9a: {  	[sflag:s0] =	ssyncset.done $0x0  }
0x9b: {  	[sflag:s0] =	ssyncadd.s32 $0xFFFFF000  }
0x9c: {  	_ =	swait.ge [sflag:s0], $0x1000  }
0x9d: {  	[sflag:s0] =	ssyncset.done $0x0  }
0x9e: {  	[sflag:s0] =	ssyncadd.s32 $0xFFFFF000  }
0x9f: {  	_ =	swait.ge [sflag:s0], $0x1000  }
0xa0: {  	[sflag:s0] =	ssyncset.done $0x0  }
0xa1: {  	[sflag:s0] =	ssyncadd.s32 $0xFFFFF000  }
0xa2: {  	_ =	swait.ge [sflag:s0], $0x1000  }
0xa3: {  	[sflag:s0] =	ssyncset.done $0x0  }
0xa4: {  	[sflag:s0] =	ssyncadd.s32 $0xFFFFF000  }
0xa5: {  	_ =	swait.ge [sflag:s0], $0x1000  }
0xa6: {  	[sflag:s0] =	ssyncset.done $0x0  }
0xa7: {  	[sflag:s0] =	ssyncadd.s32 $0xFFFFF000  }
0xa8: {  	_ =	swait.ge [sflag:s0], $0x1000  }
0xa9: {  	[sflag:s0] =	ssyncset.done $0x0  }
0xaa: {  	[sflag:s0] =	ssyncadd.s32 $0xFFFFF000  }
0xab: {  	_ =	swait.ge [sflag:s0], $0x1000  }
0xac: {  	[sflag:s0] =	ssyncset.done $0x0  }
0xad: {  	s12 =	sadd.s32 $0x800, s12;
	[sflag:s0] =	ssyncadd.s32 $0xFFFFF000  }
0xae: {  	[hbm4b:s12+s4] =	stream.linear.scatter [tilespmem:s19], [sflag:$0x2], $0x4000, $0x38;
	[tilespmem:$0xE9C0] =	vst v63  }
0xaf: {  	p0 =	sne.s32 s8, $0xC00;
	_ =	swait.ge [sflag:s14], $0x4000  }
.Ltmp0:
0xb0: {  	[sflag:s14] =	ssyncset.done $0x0;
	(pc) =	sbr.rel @p0 .LBB2_2-.Ltmp0, $4  }
0xb1: {  	s11 =	sadd.s32 $0x800, s11;
	[sflag:s14] =	ssyncadd.s32 $0xFFFFC000  }
0xb2: {  	[hbm4b:s11+s4] =	stream.linear.scatter [tilespmem:s20], [sflag:$0x2], $0x4000, $0x38;
	[tilespmem:$0xE9C0] =	vst v63  }
0xb3: {  	_ =	swait.ge [sflag:s14], $0x4000  }
0xb4: {  	s8 =	sadd.s32 $0x40, s8;
	s7 =	rddreg [dreg:$0x5];
	[sflag:s14] =	ssyncset.done $0x0  }
0xb5: {  	[sflag:s14] =	ssyncadd.s32 $0xFFFFC000;
	s7 =	sadd.s32 s10, s7  }
0xb6: {  	[tilespmem:s16], [sflag:$0x2] =	stream.linear.gather [hbm4b:s7+s4], $0x200, $0x38;
	[tilespmem:$0xE9C0] =	vst v63  }
0xb7: {  	_ =	swait.ge [sflag:s14], $0x200  }
0xb8: {  	s8 =	rddreg [dreg:$0x4];
	[sflag:s14] =	ssyncset.done $0x0  }
0xb9: {  	s7 =	sadd.s32 s10, s8;
	[sflag:s14] =	ssyncadd.s32 $0xFFFFFE00  }
0xba: {  	[tilespmem:s17], [sflag:$0x2] =	stream.linear.gather [hbm4b:s7+s4], $0x200, $0x38;
	[tilespmem:$0xE9C0] =	vst v63  }
0xbb: {  	_ =	swait.ge [sflag:s14], $0x200  }
0xbc: {  	[sflag:s14] =	ssyncset.done $0x0  }
0xbd: {  	[sflag:s14] =	ssyncadd.s32 $0xFFFFFE00  }
0xbe: {  	[tilespmem:s19], [sflag:$0x1] =	stream.indirect.gather [hbm4b:s2+s18], $0x20, s16, s18, $0xb8;
	[tilespmem:$0xE9C0] =	vst v63  }
0xbf: {  	_ = 	snop  }
0xc0: {  	[tilespmem:s20], [sflag:$0x1] =	stream.indirect.gather [hbm4b:s5+s18], $0x20, s17, s18, $0xb8;
	[tilespmem:$0xE9C0] =	vst v63  }
0xc1: {  	s9 =	rddreg [dreg:$0x6]  }
0xc2: {  	[tilespmem:s9], [sflag:$0x1] =	stream.indirect.gather [hbm4b:s2+s18], $0x20, s21, s18, $0xb8;
	[tilespmem:$0xE9C0] =	vst v63  }
0xc3: {  	_ = 	snop  }
0xc4: {  	[tilespmem:s23], [sflag:$0x1] =	stream.indirect.gather [hbm4b:s5+s18], $0x20, s22, s18, $0xb8;
	[tilespmem:$0xE9C0] =	vst v63  }
0xc5: {  	_ = 	snop  }
0xc6: {  	[tilespmem:s25], [sflag:$0x1] =	stream.indirect.gather [hbm4b:s2+s18], $0x20, s24, s18, $0xb8;
	[tilespmem:$0xE9C0] =	vst v63  }
0xc7: {  	_ = 	snop  }
0xc8: {  	[tilespmem:s28], [sflag:$0x1] =	stream.indirect.gather [hbm4b:s5+s18], $0x20, s26, s18, $0xb8;
	[tilespmem:$0xE9C0] =	vst v63  }
0xc9: {  	_ = 	snop  }
0xca: {  	[tilespmem:s30], [sflag:$0x1] =	stream.indirect.gather [hbm4b:s2+s18], $0x20, s29, s18, $0xb8;
	[tilespmem:$0xE9C0] =	vst v63  }
0xcb: {  	_ = 	snop  }
0xcc: {  	[tilespmem:s1], [sflag:$0x1] =	stream.indirect.gather [hbm4b:s5+s18], $0x20, s31, s18, $0xb8;
	[tilespmem:$0xE9C0] =	vst v63  }
0xcd: {  	_ = 	snop  }
0xce: {  	[spmem:s3] =	stream.indirect.scatter.add.f32 [tilespmem:s15], [sflag:$0x2], $0x8, s16, s18, $0xb8;
	[tilespmem:$0xE9C0] =	vst v63  }
0xcf: {  	_ =	swait.ge [sflag:s14], $0x400  }
0xd0: {  	[sflag:s14] =	ssyncset.done $0x0  }
0xd1: {  	[sflag:s14] =	ssyncadd.s32 $0xFFFFFC00  }
0xd2: {  	[spmem:s3] =	stream.indirect.scatter.add.f32 [tilespmem:s15], [sflag:$0x2], $0x8, s21, s18, $0xb8;
	[tilespmem:$0xE9C0] =	vst v63  }
0xd3: {  	_ =	swait.ge [sflag:s14], $0x400  }
0xd4: {  	[sflag:s14] =	ssyncset.done $0x0  }
0xd5: {  	[sflag:s14] =	ssyncadd.s32 $0xFFFFFC00  }
0xd6: {  	[spmem:s3] =	stream.indirect.scatter.add.f32 [tilespmem:s15], [sflag:$0x2], $0x8, s24, s18, $0xb8;
	[tilespmem:$0xE9C0] =	vst v63  }
0xd7: {  	_ =	swait.ge [sflag:s14], $0x400  }
0xd8: {  	[sflag:s14] =	ssyncset.done $0x0  }
0xd9: {  	[sflag:s14] =	ssyncadd.s32 $0xFFFFFC00  }
0xda: {  	[spmem:s3] =	stream.indirect.scatter.add.f32 [tilespmem:s15], [sflag:$0x2], $0x8, s29, s18, $0xb8;
	[tilespmem:$0xE9C0] =	vst v63  }
0xdb: {  	_ =	swait.ge [sflag:s14], $0x400  }
0xdc: {  	[sflag:s14] =	ssyncset.done $0x0  }
0xdd: {  	[sflag:s14] =	ssyncadd.s32 $0xFFFFFC00  }
0xde: {  	_ =	swait.ge [sflag:s0], $0x1000  }
0xdf: {  	[sflag:s0] =	ssyncset.done $0x0  }
0xe0: {  	[sflag:s0] =	ssyncadd.s32 $0xFFFFF000  }
0xe1: {  	_ =	swait.ge [sflag:s0], $0x1000  }
0xe2: {  	[sflag:s0] =	ssyncset.done $0x0  }
0xe3: {  	[sflag:s0] =	ssyncadd.s32 $0xFFFFF000  }
0xe4: {  	_ =	swait.ge [sflag:s0], $0x1000  }
0xe5: {  	[sflag:s0] =	ssyncset.done $0x0  }
0xe6: {  	[sflag:s0] =	ssyncadd.s32 $0xFFFFF000  }
0xe7: {  	_ =	swait.ge [sflag:s0], $0x1000  }
0xe8: {  	[sflag:s0] =	ssyncset.done $0x0  }
0xe9: {  	[sflag:s0] =	ssyncadd.s32 $0xFFFFF000  }
0xea: {  	_ =	swait.ge [sflag:s0], $0x1000  }
0xeb: {  	[sflag:s0] =	ssyncset.done $0x0  }
0xec: {  	[sflag:s0] =	ssyncadd.s32 $0xFFFFF000  }
0xed: {  	_ =	swait.ge [sflag:s0], $0x1000  }
0xee: {  	[sflag:s0] =	ssyncset.done $0x0  }
0xef: {  	[sflag:s0] =	ssyncadd.s32 $0xFFFFF000  }
0xf0: {  	_ =	swait.ge [sflag:s0], $0x1000  }
0xf1: {  	[sflag:s0] =	ssyncset.done $0x0  }
0xf2: {  	[sflag:s0] =	ssyncadd.s32 $0xFFFFF000  }
0xf3: {  	_ =	swait.ge [sflag:s0], $0x1000  }
0xf4: {  	[sflag:s0] =	ssyncset.done $0x0  }
0xf5: {  	s10 =	sadd.s32 $0x800, s12;
	[sflag:s0] =	ssyncadd.s32 $0xFFFFF000  }
0xf6: {  	[hbm4b:s10+s4] =	stream.linear.scatter [tilespmem:s19], [sflag:$0x2], $0x4000, $0x38;
	[tilespmem:$0xE9C0] =	vst v63  }
0xf7: {  	_ =	swait.ge [sflag:s14], $0x4000  }
0xf8: {  	[sflag:s14] =	ssyncset.done $0x0  }
0xf9: {  	s11 =	sadd.s32 $0x800, s11;
	[sflag:s14] =	ssyncadd.s32 $0xFFFFC000  }
0xfa: {  	[hbm4b:s11+s4] =	stream.linear.scatter [tilespmem:s20], [sflag:$0x2], $0x4000, $0x38;
	[tilespmem:$0xE9C0] =	vst v63  }
0xfb: {  	_ =	swait.ge [sflag:s14], $0x4000  }
0xfc: {  	[sflag:s14] =	ssyncset.done $0x0  }
0xfd: {  	[sflag:s14] =	ssyncadd.s32 $0xFFFFC000  }
0xfe: {  	[bflag:$0x0] =	sbarrier.arrive $0xFFFF  }
0xff: {  	s12 =	rddreg [dreg:$0xa]  }
0x100: {  	s8 =	rddreg [dreg:$0xd]  }
0x101: {  	[hbm:s12], [sflag:s13] =	dma.local [spmem:s8], $0xC38  }
0x102: {  	_ =	swait.ge [sflag:s14], $0xC38  }
0x103: {  	s6 =	sadd.s32 $0x1, s6;
	s10 =	smov.u32 s13;
	s13 =	rddreg [dreg:$0x9]  }
0x104: {  	p0 =	sne.s32 s6, s13  }
.Ltmp1:
0x105: {  	_ = 	snop;
	(pc) =	sbr.rel @p0 .LBB2_1-.Ltmp1, $3  }
0x106: {  	_ =	sdelay $0x1  }
0x107: {  	[sflag:s14] =	ssyncset.done $0x0  }
0x108: {  	[sflag:s14] =	ssyncadd.s32 $0xFFFFF3C8  }
0x109: {  	_ =	sfence.sel $0x180000  }
0x10a: {  	[bflag:$0x0] =	sbarrier.arrive $0xFFFF  }
0x10b: {  	_ =	strace $0x90000047  }
0x10c: {  	s0 =	stileid.u32;
	[bflag:$0x2] =	sbarrier.arrive $0xFFFF  }
0x10d: {  	p0 =	sne.s32 s0, $0x0;
	s0 =	rddreg [dreg:$0x3]  }
0x10e: {  	s0 =	sadd.s32 @!p0 $0x100000, s0  }
0x10f: {  	[sflag:s0] =	ssyncadd.tile.s32 @!p0 $0x1;
	_ =	shalt  }
.Lfunc_end2:
_tile_overlayer_lowered:
.L_overlay_start_2:
0x110: {  	(tag) =	ssettag $0x2  }
0x111: {  	s0 =	rddreg [dreg:$0x0];
	s2 =	stileid.u32  }
0x112: {  	s1 =	rddreg [dreg:$0x1];
	p0 =	sne.s32 s2, $0x0  }
0x113: {  	s3 =	rddreg [dreg:$0x2];
	[bflag:$0x3] =	sbarrier.arrive $0xFFFF;
	s2 =	simm.s32 @!p0 $0x1C02  }
0x114: {  	[timem:s3], [sflag:s2] =	dma.local @!p0 [hbm:s0], s1  }
0x115: {  	s0 =	simm.s32 @!p0 $0x2  }
0x116: {  	_ =	swait.ge @!p0 [sflag:s0], s1  }
0x117: {  	s1 =	ssub.s32 @!p0 $0x0, s1;
	[sflag:s0] =	ssyncset.done @!p0 $0x0  }
0x118: {  	[sflag:s0] =	ssyncadd.s32 @!p0 s1  }
0x119: {  	[bflag:$0x3] =	sbarrier.arrive $0xFFFF  }
0x11a: {  	_ =	shalt  }

// kernel: sparse-core-data-format-call.cloned.1.call-start
scs
called_computation_lowered:
.L_overlay_start_0:
0x0: {  	s2 =	sld [smem:$0x3FD9]  }
0x1: {  	s3 =	sld [smem:$0x3FFE];
	_ =	sdelay $0x1  }
0x2: {  	s1 =	srdreg.scid  }
0x3: {  	s0 =	sand.u32 $0x1, s1  }
0x4: {  	s16 =	sshll.u32 s0, $0xA;
	s2 =	sadd.s32 s3, s2  }
0x5: {  	s2 =	sadd.s32 s2, s16  }
0x6: {  	[smem:$0x3FAB] =	sst s2  }
0x7: {  	_ = 	snop  }
0x8: {  	s2 =	sld [smem:$0x3FD0];
	_ =	sdelay $0x2  }
0x9: {  	s17 =	simm.s32 $0xB;
	s4 =	simm.s32 $0x10  }
0xa: {  	[smem:s4], [sflag:s17] =	dma.local [hbm:s2], $0x1  }
0xb: {  	_ =	swait.eq [sflag:s17], $0x1  }
0xc: {  	[sflag:s17] =	ssyncset.done $0x0  }
0xd: {  	[sflag:s17] =	ssyncadd.s32 $0xFFFFFFFF  }
0xe: {  	s18 =	sld [smem:$0x11];
	(tm) =	ssettm $0x1  }
0xf: {  	s19 =	sld [smem:$0x3FFB];
	_ =	sdelay $0x3  }
0x10: {  	_ =	strace s19  }
0x11: {  	s2 =	sld [smem:$0x3FFC];
	_ =	sdelay $0x3  }
0x12: {  	_ =	strace s2  }
0x13: {  	s2 =	sld [smem:$0x3FFD];
	_ =	sdelay $0x3  }
0x14: {  	_ =	strace s2  }
0x15: {  	_ =	strace $0x8FFFFFFF  }
0x16: {  	s20 =	sld [smem:$0x3FDB];
	_ =	sdelay $0x1  }
0x17: {  	s21 =	simm.s32 $_scs_section_size  }
0x18: {  	s5 =	simm.s32 $_size__tile_overlayer_lowered;
	s6 =	simm.s32 $_tile_overlayer_lowered  }
0x19: {  	s7 =	simm.s32 $0x1BFF;
	s22 =	sshll.u32 s6, $0x1;
	s4 =	sadd.s32 s21, s20  }
0x1a: {  	s23 =	simm.s32 $0x0;
	s5 =	sshll.u32 s5, $0x1;
	s6 =	sadd.s32 s22, s4  }
0x1b: {  	[timem:s23], [sflag:s7] =	dma.local [hbm:s6], s5  }
0x1c: {  	_ =	swait.ge [sflag:s7], s5  }
0x1d: {  	s5 =	ssub.s32 $0x0, s5;
	[sflag:s7] =	ssyncset.done $0x0  }
0x1e: {  	[sflag:s7] =	ssyncadd.s32 s5;
	_ =	sdelay $0x1  }
0x1f: {  	s24 =	simm.s32 $0x1B8B  }
0x20: {  	_ =	swait.ge [sflag:s24], $0x1  }
0x21: {  	[sflag:s24] =	ssyncset.done $0x0  }
0x22: {  	[sflag:s24] =	ssyncadd.s32 $0xFFFFFFFF  }
0x23: {  	s5 =	sld [smem:$0x0]  }
0x24: {  	s6 =	sand.u32 $0xFFFFFFFE, s1  }
0x25: {  	p0 =	sne.s32 s1, s6  }
0x26: {  	s6 =	sshll.u32 @p0 s6, $0xE  }
0x27: {  	s6 =	sadd.s32 @p0 $0x11B8D, s6;
	s7 =	sshll.u32 @p0 s5, $0x11  }
0x28: {  	s6 =	sor.u32 @p0 s7, s6  }
0x29: {  	[sflag:s6] =	ssyncadd.remote.s32 @p0 $0x1;
	_ =	sdelay $0x1  }
0x2a: {  	s6 =	simm.s32 @p0 $0x1B8D  }
0x2b: {  	_ =	swait.eq @p0 [sflag:s6], $0x1  }
0x2c: {  	[sflag:s6] =	ssyncadd.s32 @p0 $0xFFFFFFFF  }
0x2d: {  	s7 =	sshll.u32 @!p0 s1, $0xE  }
0x2e: {  	s7 =	sor.u32 @!p0 $0x4000, s7;
	s6 =	simm.s32 @!p0 $0x1B8D  }
0x2f: {  	s5 =	sshll.u32 @!p0 s5, $0x11;
	s7 =	sadd.s32 @!p0 $0x11B8D, s7;
	_ =	swait.eq @!p0 [sflag:s6], $0x1  }
0x30: {  	s5 =	sor.u32 @!p0 s5, s7;
	[sflag:s6] =	ssyncadd.s32 @!p0 $0xFFFFFFFF  }
0x31: {  	s26 =	simm.s32 $0x1B8E;
	s25 =	sld [smem:$0x3FFE];
	[sflag:s5] =	ssyncadd.remote.s32 @!p0 $0x1  }
0x32: {  	s27 =	simm.s32 $execute0_lowered;
	[smem:$0x3FD2] =	sst s26  }
0x33: {  	s6 =	sshll.u32 s27, $0x1;
	_ =	strace $0x8000004C;
	[dreg:$0x1] =	wrdreg $0xFFFFFFFF  }
0x34: {  	s28 =	simm.s32 $_size_execute0_lowered;
	s4 =	sadd.s32 s4, s6;
	[dreg:$0x0] =	wrdreg $0x0  }
0x35: {  	s6 =	sshll.u32 s28, $0x1;
	[dreg:$0x2] =	wrdreg s4  }
0x36: {  	[dreg:$0x3] =	wrdreg s6  }
0x37: {  	[dreg:$0x4] =	wrdreg $0xC0  }
0x38: {  	_ =	task [dreg:s23], $0x5FFFF  }
0x39: {  	[dreg:$0x1] =	wrdreg $0xFFFFFFFF  }
0x3a: {  	[dreg:$0x0] =	wrdreg $0x60  }
0x3b: {  	[dreg:$0x2] =	wrdreg s25  }
0x3c: {  	[dreg:$0x3] =	wrdreg s18  }
0x3d: {  	[dreg:$0x4] =	wrdreg $0x9  }
0x3e: {  	_ =	task.clear_ibuf [dreg:s23], $0x5FFFF;
	_ =	strace $0x9000004C  }
0x3f: {  	s29 =	simm.s32 $0x9;
	_ =	strace $0x8000004E  }
0x40: {  	_ =	swait.ge [sflag:s29], $0x1  }
0x41: {  	[sflag:s29] =	ssyncadd.s32 $0xFFFFFFFF  }
0x42: {  	_ =	strace $0x9000004E  }
0x43: {  	_ =	sfence  }
0x44: {  	s30 =	sld [smem:$0x0];
	_ =	sdelay $0x2  }
0x45: {  	s31 =	sshll.u32 s1, $0xD;
	s1 =	sshrl.u32 s1, $0x2  }
0x46: {  	s4 =	sand.u32 $0x4000, s31;
	s1 =	sadd.s32 s1, s30  }
0x47: {  	s0 =	sor.u32 s4, s0;
	s1 =	sshll.u32 s1, $0x11  }
0x48: {  	s0 =	sor.u32 s1, s0  }
0x49: {  	s0 =	sadd.s32 $0x8F2B, s0  }
0x4a: {  	[sflag:s0] =	ssyncadd.remote.s32 $0x1  }
0x4b: {  	_ =	sfence.sel $0xFFFF  }
0x4c: {  	[dreg:$0x0] =	wrdreg $0xFFFFFFFF;
	(pc) =	sbr.abs _section_cstart, $3  }
0x4d: {  	[dreg:$0x1] =	wrdreg $0xFFFFFFFF  }
0x4e: {  	_ =	task.clear_ibuf [dreg:s23], $0x2FFFF;
	_ =	strace $0x9FFFFFFF  }
0x4f: {  	(tm) =	ssettm $0x7FFFFFFF  }
tec
execute0_lowered:
.L_overlay_start_1:
0x0: {  	(tag) =	ssettag $0x1  }
0x1: {  	s0 =	srdreg.scid  }
0x2: {  	s1 =	sshll.u32 s0, $0x4  }
0x3: {  	s4 =	rddreg [dreg:$0x0];
	s0 =	stileid.u32;
	s1 =	sand.u32 $0x10, s1  }
0x4: {  	s2 =	rddreg [dreg:$0x1];
	s7 =	simm.s32 $0x1;
	s1 =	sor.u32 s0, s1  }
0x5: {  	s8 =	simm.s32 $0x2;
	s11 =	simm.s32 $0x0;
	s3 =	sshll.u32 s1, $0x7  }
0x6: {  	s10 =	simm.s32 $0x0;
	s4 =	sadd.s32 $0xEBF600, s4;
	s6 =	ssub.s32 $0xC3500, s3  }
.Ltmp0:
0x7: {  	s1 =	rddreg [dreg:$0x2];
	s5 =	sand.u32 $0xF80, s6;
	(pc) =	sbr.rel .LBB1_1-.Ltmp0, $4  }
0x8: {  	_ =	strace $0x8000004D;
	s9 =	smov.u32 s3;
	p0 =	sne.s32 s5, $0x0  }
0x9: {  	s6 =	sshrl.u32 s6, $0xC;
	s5 =	simm.s32 $0x1;
	s7 =	simm.s32 @!p0 $0x0  }
0xa: {  	[sflag:s5] =	ssyncpa.u1 $0x0;
	p0 =	por $0x0, $0x0;
	s6 =	sadd.s32 s7, s6  }
0xb: {  	[sflag:s8] =	ssyncpa.u1 $0x0;
	s8 =	simm.s32 $0x61A800;
	s7 =	sadd.s32 $0x1, s6  }
.LBB1_4:
0xc: {  	s14 =	sshll.u32 s11, $0x3  }
0xd: {  	s14 =	sand.u32 $0xFFFFFC00, s14  }
0xe: {  	s15 =	sshrl.u32 s14, $0x8  }
0xf: {  	s15 =	smulhi.u32 $0x14F8B59, s15;
	_ =	sdelay $0x1  }
0x10: {  	s15 =	sshrl.u32 s15, $0x4  }
0x11: {  	s28 =	sand.u32 $0x7F, s11;
	s16 =	smul.u32 $0xC3500, s15  }
0x12: {  	s11 =	sor.u32 s28, s14  }
0x13: {  	s29 =	sand.u32 $0x1F, s15;
	s11 =	ssub.s32 s11, s16  }
0x14: {  	s14 =	smul.u32 $0x186A0, s29;
	s30 =	sshrl.u32 s11, $0x3;
	s11 =	sand.u32 $0x7, s11  }
0x15: {  	s15 =	sadd.s32 s2, s30;
	s11 =	sshll.u32 s11, $0x12  }
0x16: {  	[tilespmem:s13+$0x0 ss:$0x81] =	vst.msk $0xffff, v0;
	s31 =	sadd.s32 s14, s15;
	s11 =	sor.u32 $0x400, s11  }
0x17: {  	[hbm4b:s31+s11] =	stream.strided.scatter [tilespmem:s12], [sflag:$0x2], $0x1000, s8, s11, $0x20;
	[tilespmem:$0x4040] =	vst v63  }
.LBB1_5:
0x18: {  	s13 =	sadd.s32 $0x1000, s9  }
0x19: {  	p2 =	sgt.s32 s13, $0xC34FF  }
0x1a: {  	s13 =	smov.u32 @p2 s3;
	p2 =	sne.s32 s10, s7  }
.Ltmp1:
0x1b: {  	p1 =	slt.u32 s10, $0x2;
	(pc) =	sbr.rel @!p2 .LBB1_6-.Ltmp1, $4  }
0x1c: {  	s12 =	simm.s32 @!p1 $0x2  }
0x1d: {  	s14 =	sadd.s32 $0x1, s10;
	_ =	swait.ge @!p1 [sflag:s12], $0x1000  }
0x1e: {  	s11 =	smov.u32 s9;
	p0 =	por !p0, !p0;
	[sflag:s12] =	ssyncset.done @!p1 $0x0  }
0x1f: {  	s10 =	smov.u32 s14;
	s9 =	smov.u32 s13;
	[sflag:s12] =	ssyncadd.s32 @!p1 $0xFFFFF000  }
.LBB1_1:
0x20: {  	p1 =	sge.u32 s10, s6  }
0x21: {  	s12 =	sand.u32 @!p1 $0x1FFFFFF, s9  }
0x22: {  	s13 =	smulhi.u32 @!p1 $0x14F8B59, s12;
	_ =	sdelay $0x1  }
0x23: {  	s13 =	sshrl.u32 @!p1 s13, $0xC  }
0x24: {  	s13 =	smul.u32 @!p1 $0xC3500, s13;
	_ =	sdelay $0x1  }
0x25: {  	s31 =	sadd.s32 $0xFFFFFFFF, s10;
	s14 =	sxor.u32 @!p1 $0xFFFFFFFF, s10;
	s12 =	ssub.s32 @!p1 s12, s13  }
0x26: {  	s15 =	simm.s32 @!p1 $0x80;
	s14 =	sshll.u32 @!p1 s14, $0xC;
	s12 =	sshll.u32 @!p1 s12, $0x4  }
0x27: {  	s13 =	sand.u32 @!p1 $0x1000, s14;
	s14 =	simm.s32 @!p1 $0x20;
	s12 =	sadd.s32 @!p1 s4, s12  }
0x28: {  	[tilespmem:s13], [sflag:$0x1] =	stream.strided.gather @!p1 [hbm4b:s12+s14], $0x1000, s15, s14, $0x38;
	[tilespmem:$0x4040] =	vst v63  }
0x29: {  	p1 =	sge.u32 s31, s6  }
.Ltmp2:
0x2a: {  	_ = 	snop;
	(pc) =	sbr.rel @p1 .LBB1_5-.Ltmp2, $1  }
0x2b: {  	_ =	sdelay $0x3  }
0x2c: {  	s12 =	simm.s32 $0x1  }
0x2d: {  	_ =	swait.ge [sflag:s5], $0x1000;
	s12 =	simm.s32 @!p0 $0x0  }
0x2e: {  	[sflag:s5] =	ssyncset.done $0x0;
	s13 =	sshll.u32 s12, $0xC  }
0x2f: {  	[sflag:s5] =	ssyncadd.s32 $0xFFFFF000;
	s16 =	sor.u32 $0x10, s13  }
0x30: {  	s12 =	smul.u32 $0x4080, s12;
	v1 =	vld [tilespmem:s16+$0x0]  }
0x31: {  	s30 =	sand.u32 $0x1, s10;
	v0 =	vld [tilespmem:s16+$0xFFFFFFF0]  }
0x32: {  	s13 =	smul.u32 $0x4080, s30;
	s12 =	sshrl.u32 s12, $0x2  }
0x33: {  	s14 =	sor.u32 $0x2000, s12  }
0x34: {  	s31 =	sshrl.u32 s13, $0x2;
	s13 =	sadd.s32 $0x0, s14  }
0x35: {  	s15 =	simm.s32 $0x4;
	s16 =	sadd.s32 $0x20, s16;
	s12 =	sor.u32 $0x2000, s31;
	[tilespmem:s13+$0x810 ss:$0x81] =	vst.msk $0xffff, v1  }
.LBB1_3:
0x36: {  	v1 =	vld [tilespmem:s16+$0x0];
	p1 =	sne.s32 s15, $0x1FC;
	[tilespmem:s13+$0x0 ss:$0x81] =	vst.msk $0xffff, v0;
	s13 =	smov.u32 s15;
	s15 =	sadd.s32 $0x4, s15  }
.Ltmp3:
0x37: {  	v0 =	vld [tilespmem:s16+$0xFFFFFFF0];
	(pc) =	sbr.rel @p1 .LBB1_3-.Ltmp3, $4  }
0x38: {  	_ = 	snop  }
0x39: {  	s13 =	sshra.s32 s13, $0x2  }
0x3a: {  	s13 =	sadd.s32 s13, s14  }
0x3b: {  	s16 =	sadd.s32 $0x20, s16;
	[tilespmem:s13+$0x810 ss:$0x81] =	vst.msk $0xffff, v1  }
.Ltmp4:
0x3c: {  	_ = 	snop;
	(pc) =	sbr.rel .LBB1_4-.Ltmp4, $1  }
0x3d: {  	_ =	sdelay $0x3  }
.LBB1_6:
0x3e: {  	_ =	sfence.sel $0x180000  }
0x3f: {  	s2 =	simm.s32 $0x1;
	[bflag:$0x0] =	sbarrier.arrive $0xFFFF  }
0x40: {  	s31 =	simm.s32 $0x2;
	[sflag:s2] =	ssyncpa.u1 $0x1  }
0x41: {  	[sflag:s31] =	ssyncpa.u1 $0x1  }
0x42: {  	p0 =	sne.s32 s0, $0x0;
	_ =	strace $0x9000004D  }
0x43: {  	s0 =	sadd.s32 @!p0 $0x100000, s1;
	[bflag:$0x2] =	sbarrier.arrive $0xFFFF  }
0x44: {  	[sflag:s0] =	ssyncadd.tile.s32 @!p0 $0x1;
	_ =	shalt  }
.Lfunc_end1:
_tile_overlayer_lowered:
.L_overlay_start_2:
0x45: {  	(tag) =	ssettag $0x2  }
0x46: {  	s0 =	rddreg [dreg:$0x0];
	s2 =	stileid.u32  }
0x47: {  	s1 =	rddreg [dreg:$0x1];
	p0 =	sne.s32 s2, $0x0  }
0x48: {  	s3 =	rddreg [dreg:$0x2];
	[bflag:$0x3] =	sbarrier.arrive $0xFFFF;
	s2 =	simm.s32 @!p0 $0x1C01  }
0x49: {  	[timem:s3], [sflag:s2] =	dma.local @!p0 [hbm:s0], s1  }
0x4a: {  	s0 =	simm.s32 @!p0 $0x1  }
0x4b: {  	_ =	swait.ge @!p0 [sflag:s0], s1  }
0x4c: {  	s1 =	ssub.s32 @!p0 $0x0, s1;
	[sflag:s0] =	ssyncset.done @!p0 $0x0  }
0x4d: {  	[sflag:s0] =	ssyncadd.s32 @!p0 s1  }
0x4e: {  	[bflag:$0x3] =	sbarrier.arrive $0xFFFF  }
0x4f: {  	_ =	shalt  }

</sc_bundles>
